<compile_context>
chip_gen: v7x
topology: tpu7x:2x2x1
jax: 0.10.2.dev20260603
libtpu: 0.0.44.dev20260713+nightly
codegen_flags: <defaults>
</compile_context>

<pallas_src>
import jax
import jax.numpy as jnp
from jax import lax
from jax.experimental import pallas as pl
from jax.experimental.pallas import tpu as pltpu
from jax.experimental.pallas import tpu_sc as plsc

B, L, V = 64, 8192, 21
CUTOFF = 0.1
NEG_INF = float("-inf")
LANES = 16
VECS = L // LANES
ROWS_PER_W = 2
CHUNK = 128
NCHUNK = L // CHUNK
VPC = CHUNK // LANES


def _tec_kernel(ent_hbm, loss_hbm, aa_hbm, wt_hbm, out_hbm,
                wt_v, loss0_v, aa0_v, idx0_v, gat0_v,
                loss1_v, aa1_v, idx1_v, gat1_v, out_v,
                sem0, sem1, gsem0, gsem1):
    nc = 2
    wid = lax.axis_index("s") * nc + lax.axis_index("c")
    lane = lax.iota(jnp.int32, LANES)
    b0 = wid * ROWS_PER_W

    cl0 = pltpu.make_async_copy(loss_hbm.at[b0], loss0_v, sem0)
    ca0 = pltpu.make_async_copy(aa_hbm.at[b0], aa0_v, sem0)
    cl1 = pltpu.make_async_copy(loss_hbm.at[b0 + 1], loss1_v, sem1)
    ca1 = pltpu.make_async_copy(aa_hbm.at[b0 + 1], aa1_v, sem1)
    cl0.start()
    ca0.start()
    cl1.start()
    ca1.start()
    pltpu.sync_copy(wt_hbm, wt_v)

    def _zero(j, _):
        out_v[pl.ds(j * LANES, LANES)] = jnp.zeros((LANES,), jnp.float32)
        wt_v[pl.ds(j * LANES, LANES)] = wt_v[pl.ds(j * LANES, LANES)] << 19
        return 0
    lax.fori_loop(0, VECS, _zero, 0)

    def _chunk_cp(c, idx_v, gat_v, gsem):
        return pltpu.make_async_copy(
            ent_hbm.at[idx_v.at[pl.ds(c * CHUNK, CHUNK)]],
            gat_v.at[pl.ds(c * CHUNK, CHUNK)], gsem)

    def _build_and_fire(b, idx_v, gat_v, gsem):
        base = (b // 8) * 65536 + (b % 8) * 128

        def _mkidx(c, cur):
            l0 = c * CHUNK
            for k in range(VPC):
                wts = wt_v[pl.ds(l0 + k * LANES, LANES)]
                idx_v[pl.ds(l0 + k * LANES, LANES)] = cur + (k * LANES) + wts
            _chunk_cp(c, idx_v, gat_v, gsem).start()
            return cur + 1024
        lax.fori_loop(0, NCHUNK, _mkidx, base + lane)

    def _drain(idx_v, gat_v, gsem):
        def _d(c, _):
            _chunk_cp(c, idx_v, gat_v, gsem).wait()
            return 0
        lax.fori_loop(0, NCHUNK, _d, 0)

    ninf = jnp.full((LANES,), NEG_INF, jnp.float32)
    zero_i = jnp.zeros((LANES,), jnp.int32)

    def _insert(chain, s, iv):
        m1, m2, m3, i1, i2, i3 = chain
        g1 = s > m1
        n1 = jnp.where(g1, s, m1)
        d1 = jnp.where(g1, m1, s)
        j1 = jnp.where(g1, iv, i1)
        e1 = jnp.where(g1, i1, iv)
        g2 = d1 > m2
        n2 = jnp.where(g2, d1, m2)
        d2 = jnp.where(g2, m2, d1)
        j2 = jnp.where(g2, e1, i2)
        e2 = jnp.where(g2, i2, e1)
        g3 = d2 > m3
        n3 = jnp.where(g3, d2, m3)
        j3 = jnp.where(g3, e2, i3)
        return (n1, n2, n3, j1, j2, j3)

    def _row_compute(b, loss_v, aa_v, gat_v):

        def _tour(c, carry):
            ca, cb = carry
            l0 = c * CHUNK
            for k in range(VPC):
                o = k * LANES
                s = loss_v[pl.ds(l0 + o, LANES)] - gat_v[pl.ds(l0 + o, LANES)]
                mut = (aa_v[pl.ds(l0 + o, LANES)] << 19) != wt_v[pl.ds(l0 + o, LANES)]
                s = jnp.where(mut, s, ninf)
                iv = l0 + o + lane
                if k % 2 == 0:
                    ca = _insert(ca, s, iv)
                else:
                    cb = _insert(cb, s, iv)
            return ca, cb

        chain0 = (ninf, ninf, ninf, zero_i, zero_i, zero_i)
        ca, cb = lax.fori_loop(0, NCHUNK, _tour, (chain0, chain0))

        (a1, a2, a3, ai1, ai2, ai3) = ca
        (q1, q2, q3, qi1, qi2, qi3) = cb
        c1 = a1 > q3
        c2 = a2 > q2
        c3 = a3 > q1
        m1 = jnp.where(c1, a1, q3)
        m2 = jnp.where(c2, a2, q2)
        m3 = jnp.where(c3, a3, q1)
        i1 = jnp.where(c1, ai1, qi3)
        i2 = jnp.where(c2, ai2, qi2)
        i3 = jnp.where(c3, ai3, qi1)

        s1, j1 = plsc.sort_key_val(m1, i1)
        s2, j2 = plsc.sort_key_val(m2, i2)
        s3, j3 = plsc.sort_key_val(m3, i3)

        r2 = lax.rev(s2, (0,))
        rj2 = lax.rev(j2, (0,))
        c = s1 >= r2
        t = jnp.where(c, s1, r2)
        tj = jnp.where(c, j1, rj2)
        t, tj = plsc.sort_key_val(t, tj)

        r3 = lax.rev(s3, (0,))
        rj3 = lax.rev(j3, (0,))
        c = t >= r3
        u = jnp.where(c, t, r3)
        uj = jnp.where(c, tj, rj3)
        u, uj = plsc.sort_key_val(u, uj)

        keep = (lane >= LANES - 3) & (u > CUTOFF)
        sig = 1.0 / (1.0 + jnp.exp(-jnp.where(keep, u, 0.0)))

        plsc.store_scatter(out_v, [uj], sig, mask=keep)
        pltpu.sync_copy(out_v, out_hbm.at[b])
        plsc.store_scatter(out_v, [uj], jnp.zeros((LANES,), jnp.float32),
                           mask=keep)

    _build_and_fire(b0, idx0_v, gat0_v, gsem0)
    _build_and_fire(b0 + 1, idx1_v, gat1_v, gsem1)

    _drain(idx0_v, gat0_v, gsem0)
    cl0.wait()
    ca0.wait()
    _row_compute(b0, loss0_v, aa0_v, gat0_v)

    _drain(idx1_v, gat1_v, gsem1)
    cl1.wait()
    ca1.wait()
    _row_compute(b0 + 1, loss1_v, aa1_v, gat1_v)


@jax.jit
def _revor_sc(ent_nat, loss, aa_tensor, aa_wt):
    mesh = plsc.VectorSubcoreMesh(core_axis_name="c", subcore_axis_name="s")
    f = pl.kernel(
        _tec_kernel,
        mesh=mesh,
        out_type=jax.ShapeDtypeStruct((B, L), jnp.float32),
        scratch_types=[
            pltpu.VMEM((L,), jnp.int32),
            pltpu.VMEM((L,), jnp.float32),
            pltpu.VMEM((L,), jnp.int32),
            pltpu.VMEM((L,), jnp.int32),
            pltpu.VMEM((L,), jnp.float32),
            pltpu.VMEM((L,), jnp.float32),
            pltpu.VMEM((L,), jnp.int32),
            pltpu.VMEM((L,), jnp.int32),
            pltpu.VMEM((L,), jnp.float32),
            pltpu.VMEM((L,), jnp.float32),
            pltpu.SemaphoreType.DMA,
            pltpu.SemaphoreType.DMA,
            pltpu.SemaphoreType.DMA,
            pltpu.SemaphoreType.DMA,
        ],
        compiler_params=pltpu.CompilerParams(needs_layout_passes=False),
    )
    return f(ent_nat, loss, aa_tensor, aa_wt)


def kernel(entropy, loss, aa_tensor, aa_wt, max_step):
    del max_step
    ent_nat = (entropy.reshape(8, 8, 64, 128, V)
               .transpose(4, 0, 2, 1, 3)
               .reshape(B * L * V))
    return _revor_sc(ent_nat, loss, aa_tensor, aa_wt)

# --- scband reference (transcript-rebuilt; emitter-appended) ---
"""Pipeline reference for scband-re-vor-6743098655160 (READ-ONLY COPY).

The authoritative reference and input builder live on the scoring server;
editing this copy changes nothing except your own understanding.
"""

import jax, jax.numpy as jnp
import numpy as np

CUTOFF = 0.1
TEMPERATURE = 1.0


def setup_inputs(seed: int = 0) -> dict:
    key = jax.random.key(seed)
    k1, k2, k3, k4 = jax.random.split(key, 4)
    B, L, V = 64, 8192, 21
    entropy = jax.random.normal(k1, (B, L, V), dtype=jnp.float32)
    loss = jax.random.normal(k2, (B, L), dtype=jnp.float32)
    aa_tensor = jax.random.randint(k3, (B, L), 0, V, dtype=jnp.int32)
    aa_wt = jax.random.randint(k4, (L,), 0, V, dtype=jnp.int32)
    return {
        "entropy": entropy,
        "loss": loss,
        "aa_tensor": aa_tensor,
        "aa_wt": aa_wt,
        "max_step": 3,
    }


def reference(entropy, loss, aa_tensor, aa_wt, max_step):
    # Faithful translation of ReVor._score + the top-k masking core of ReVor._iterate.
    B, L, V = entropy.shape
    # _score: gather wild-type per-position loss from per-residue entropy
    target = jnp.broadcast_to(aa_wt[None, :], (B, L))
    loss_wt = jnp.take_along_axis(entropy, target[:, :, None], axis=2)[:, :, 0]
    score = loss - loss_wt
    # mask non-mutated positions: score[~mutation_mask] = -inf
    mutation_mask = aa_tensor != aa_wt[None, :]
    neg_inf = jnp.array(-jnp.inf, dtype=score.dtype)
    score = jnp.where(mutation_mask, score, neg_inf)
    # top-k over positions (max_step mutations to revert)
    score = score + (jnp.asarray(max_step).astype(score.dtype) * score.dtype.type(0))
    revert_values, revert_indices = jax.lax.top_k(score, 3)
    # scatter (revert_values > cutoff) into a boolean mask along dim 1
    rows = jnp.arange(B)[:, None]
    revert_mask = jnp.zeros((B, L), dtype=bool).at[rows, revert_indices].set(
        revert_values > CUTOFF
    )
    # score[~revert_mask] = -inf
    score = jnp.where(revert_mask, score, neg_inf)
    # revert probability (sigmoid(-inf) == 0 for masked positions)
    prob = jax.nn.sigmoid(score / TEMPERATURE)
    return prob

if __name__ == "__main__":
    import jax
    _d = setup_inputs()
    print(jax.jit(kernel)(*tuple(_d.values())))

</pallas_src>

<mosaic_0001>
#map = affine_map<(d0, d1) -> (0)>
#map1 = affine_map<(d0, d1) -> (0, 0)>
module attributes {stable_mosaic.version = 14 : i64} {
  func.func @_tec_kernel(%arg0: i32, %arg1: i32, %arg2: memref<11010048xf32, #tpu.memory_space<hbm>>, %arg3: memref<64x8192xf32, #tpu.memory_space<hbm>>, %arg4: memref<64x8192xi32, #tpu.memory_space<hbm>>, %arg5: memref<8192xi32, #tpu.memory_space<hbm>>, %arg6: memref<64x8192xf32, #tpu.memory_space<hbm>>, %arg7: memref<8192xi32, #tpu.memory_space<vmem>>, %arg8: memref<8192xf32, #tpu.memory_space<vmem>>, %arg9: memref<8192xi32, #tpu.memory_space<vmem>>, %arg10: memref<8192xi32, #tpu.memory_space<vmem>>, %arg11: memref<8192xf32, #tpu.memory_space<vmem>>, %arg12: memref<8192xf32, #tpu.memory_space<vmem>>, %arg13: memref<8192xi32, #tpu.memory_space<vmem>>, %arg14: memref<8192xi32, #tpu.memory_space<vmem>>, %arg15: memref<8192xf32, #tpu.memory_space<vmem>>, %arg16: memref<8192xf32, #tpu.memory_space<vmem>>, %arg17: memref<!tpu.dma_semaphore, #tpu.memory_space<semaphore_mem>>, %arg18: memref<!tpu.dma_semaphore, #tpu.memory_space<semaphore_mem>>, %arg19: memref<!tpu.dma_semaphore, #tpu.memory_space<semaphore_mem>>, %arg20: memref<!tpu.dma_semaphore, #tpu.memory_space<semaphore_mem>>) attributes {dimension_semantics = [#tpu.dimension_semantics<core_parallel>, #tpu.dimension_semantics<subcore_parallel>], iteration_bounds = array<i64: 2, 16>, scalar_prefetch = 0 : i64, scratch_operands = 14 : i64, tpu.core_type = #tpu.core_type<sc_vector_subcore>, window_params = [{transform_indices = #map}, {transform_indices = #map1}, {transform_indices = #map1}, {transform_indices = #map}, {transform_indices = #map1}]} {
    %mul3A = arith.constant 2 : i32
    %mul3A_0 = arith.muli %arg1, %mul3A : i32
    %add3A = arith.addi %mul3A_0, %arg0 : i32
    %iota3A = tpu.iota {dimensions = array<i32: 0>} : vector<16xi32>
    %mul3A_1 = arith.constant 2 : i32
    %mul3A_2 = arith.muli %add3A, %mul3A_1 : i32
    %add3A_3 = arith.constant 1 : i32
    %add3A_4 = arith.addi %mul3A_2, %add3A_3 : i32
    %add3A_5 = arith.constant 1 : i32
    %add3A_6 = arith.addi %mul3A_2, %add3A_5 : i32
    %dma_start3A = arith.constant 0 : i32
    %dma_start3A_7 = tpu.memref_slice %arg3[%mul3A_2, %dma_start3A] : memref<64x8192xf32, #tpu.memory_space<hbm>> -> memref<1x8192xf32, #tpu.memory_space<hbm>>
    %dma_start3A_8 = tpu.memref_squeeze %dma_start3A_7 : memref<1x8192xf32, #tpu.memory_space<hbm>> -> memref<8192xf32, #tpu.memory_space<hbm>>
    %dma_start3A_9 = arith.constant 0 : i32
    %dma_start3A_10 = tpu.memref_slice %arg3[%mul3A_2, %dma_start3A_9] : memref<64x8192xf32, #tpu.memory_space<hbm>> -> memref<1x8192xf32, #tpu.memory_space<hbm>>
    %dma_start3A_11 = tpu.memref_squeeze %dma_start3A_10 : memref<1x8192xf32, #tpu.memory_space<hbm>> -> memref<8192xf32, #tpu.memory_space<hbm>>
    tpu.enqueue_dma source(%dma_start3A_11 : memref<8192xf32, #tpu.memory_space<hbm>>) target(%arg8 : memref<8192xf32, #tpu.memory_space<vmem>>) target_semaphore(%arg17 : memref<!tpu.dma_semaphore, #tpu.memory_space<semaphore_mem>>)
    %dma_start3A_12 = arith.constant 0 : i32
    %dma_start3A_13 = tpu.memref_slice %arg4[%mul3A_2, %dma_start3A_12] : memref<64x8192xi32, #tpu.memory_space<hbm>> -> memref<1x8192xi32, #tpu.memory_space<hbm>>
    %dma_start3A_14 = tpu.memref_squeeze %dma_start3A_13 : memref<1x8192xi32, #tpu.memory_space<hbm>> -> memref<8192xi32, #tpu.memory_space<hbm>>
    %dma_start3A_15 = arith.constant 0 : i32
    %dma_start3A_16 = tpu.memref_slice %arg4[%mul3A_2, %dma_start3A_15] : memref<64x8192xi32, #tpu.memory_space<hbm>> -> memref<1x8192xi32, #tpu.memory_space<hbm>>
    %dma_start3A_17 = tpu.memref_squeeze %dma_start3A_16 : memref<1x8192xi32, #tpu.memory_space<hbm>> -> memref<8192xi32, #tpu.memory_space<hbm>>
    tpu.enqueue_dma source(%dma_start3A_17 : memref<8192xi32, #tpu.memory_space<hbm>>) target(%arg9 : memref<8192xi32, #tpu.memory_space<vmem>>) target_semaphore(%arg17 : memref<!tpu.dma_semaphore, #tpu.memory_space<semaphore_mem>>)
    %dma_start3A_18 = arith.constant 0 : i32
    %dma_start3A_19 = tpu.memref_slice %arg3[%add3A_4, %dma_start3A_18] : memref<64x8192xf32, #tpu.memory_space<hbm>> -> memref<1x8192xf32, #tpu.memory_space<hbm>>
    %dma_start3A_20 = tpu.memref_squeeze %dma_start3A_19 : memref<1x8192xf32, #tpu.memory_space<hbm>> -> memref<8192xf32, #tpu.memory_space<hbm>>
    %dma_start3A_21 = arith.constant 0 : i32
    %dma_start3A_22 = tpu.memref_slice %arg3[%add3A_4, %dma_start3A_21] : memref<64x8192xf32, #tpu.memory_space<hbm>> -> memref<1x8192xf32, #tpu.memory_space<hbm>>
    %dma_start3A_23 = tpu.memref_squeeze %dma_start3A_22 : memref<1x8192xf32, #tpu.memory_space<hbm>> -> memref<8192xf32, #tpu.memory_space<hbm>>
    tpu.enqueue_dma source(%dma_start3A_23 : memref<8192xf32, #tpu.memory_space<hbm>>) target(%arg12 : memref<8192xf32, #tpu.memory_space<vmem>>) target_semaphore(%arg18 : memref<!tpu.dma_semaphore, #tpu.memory_space<semaphore_mem>>)
    %dma_start3A_24 = arith.constant 0 : i32
    %dma_start3A_25 = tpu.memref_slice %arg4[%add3A_6, %dma_start3A_24] : memref<64x8192xi32, #tpu.memory_space<hbm>> -> memref<1x8192xi32, #tpu.memory_space<hbm>>
    %dma_start3A_26 = tpu.memref_squeeze %dma_start3A_25 : memref<1x8192xi32, #tpu.memory_space<hbm>> -> memref<8192xi32, #tpu.memory_space<hbm>>
    %dma_start3A_27 = arith.constant 0 : i32
    %dma_start3A_28 = tpu.memref_slice %arg4[%add3A_6, %dma_start3A_27] : memref<64x8192xi32, #tpu.memory_space<hbm>> -> memref<1x8192xi32, #tpu.memory_space<hbm>>
    %dma_start3A_29 = tpu.memref_squeeze %dma_start3A_28 : memref<1x8192xi32, #tpu.memory_space<hbm>> -> memref<8192xi32, #tpu.memory_space<hbm>>
    tpu.enqueue_dma source(%dma_start3A_29 : memref<8192xi32, #tpu.memory_space<hbm>>) target(%arg13 : memref<8192xi32, #tpu.memory_space<vmem>>) target_semaphore(%arg18 : memref<!tpu.dma_semaphore, #tpu.memory_space<semaphore_mem>>)
    "tpu.region"() ({
      %run_scoped3A = tpu.sem_alloc : memref<!tpu.dma_semaphore, #tpu.memory_space<semaphore_mem>>
      tpu.enqueue_dma source(%arg5 : memref<8192xi32, #tpu.memory_space<hbm>>) target(%arg7 : memref<8192xi32, #tpu.memory_space<vmem>>) target_semaphore(%run_scoped3A : memref<!tpu.dma_semaphore, #tpu.memory_space<semaphore_mem>>)
      tpu.wait_dma2 semaphore(%run_scoped3A : memref<!tpu.dma_semaphore, #tpu.memory_space<semaphore_mem>>) src(%arg5 : memref<8192xi32, #tpu.memory_space<hbm>>) dst(%arg7 : memref<8192xi32, #tpu.memory_space<vmem>>)
      tpu.yield
    }) : () -> ()
    %scan3A = arith.constant 0 : i32
    %scan3A_30 = arith.constant 0 : i32
    %scan3A_31 = arith.constant 512 : i32
    %scan3A_32 = arith.addi %scan3A_30, %scan3A_31 : i32
    %scan3A_33 = arith.constant 1 : i32
    %scan3A_34 = scf.for %scan3A_336 = %scan3A_30 to %scan3A_32 step %scan3A_33 iter_args(%scan3A_337 = %scan3A) -> (i32)  : i32 {
      %broadcast_in_dim3A_338 = arith.constant 0.000000e+00 : f32
      %broadcast_in_dim3A_339 = vector.broadcast %broadcast_in_dim3A_338 : f32 to vector<16xf32>
      %mul3A_340 = arith.constant 16 : i32
      %mul3A_341 = arith.muli %scan3A_336, %mul3A_340 : i32
      %swap3A = arith.index_cast %mul3A_341 : i32 to index
      %swap3A_342 = tpu.vector_load %arg16[%swap3A] {strides = array<i32>} : memref<8192xf32, #tpu.memory_space<vmem>>, vector<16xf32>,
      tpu.vector_store %arg16[%swap3A], %broadcast_in_dim3A_339 {strides = array<i32>} : memref<8192xf32, #tpu.memory_space<vmem>>, vector<16xf32>,
      %mul3A_343 = arith.constant 16 : i32
      %mul3A_344 = arith.muli %scan3A_336, %mul3A_343 : i32
      %get3A = arith.index_cast %mul3A_344 : i32 to index
      %get3A_345 = tpu.vector_load %arg7[%get3A] {strides = array<i32>} : memref<8192xi32, #tpu.memory_space<vmem>>, vector<16xi32>,
      %shift_left3A = arith.constant 19 : i32
      %shift_left3A_346 = vector.broadcast %shift_left3A : i32 to vector<16xi32>
      %shift_left3A_347 = arith.shli %get3A_345, %shift_left3A_346 : vector<16xi32>
      %mul3A_348 = arith.constant 16 : i32
      %mul3A_349 = arith.muli %scan3A_336, %mul3A_348 : i32
      %swap3A_350 = arith.index_cast %mul3A_349 : i32 to index
      %swap3A_351 = tpu.vector_load %arg7[%swap3A_350] {strides = array<i32>} : memref<8192xi32, #tpu.memory_space<vmem>>, vector<16xi32>,
      tpu.vector_store %arg7[%swap3A_350], %shift_left3A_347 {strides = array<i32>} : memref<8192xi32, #tpu.memory_space<vmem>>, vector<16xi32>,
      %scan3A_352 = arith.constant 0 : i32
      scf.yield %scan3A_352 : i32
    }
    %scan3A_35 = arith.constant 512 : i32
    %broadcast_in_dim3A = arith.constant 0xFF800000 : f32
    %broadcast_in_dim3A_36 = vector.broadcast %broadcast_in_dim3A : f32 to vector<16xf32>
    %broadcast_in_dim3A_37 = arith.constant 0 : i32
    %broadcast_in_dim3A_38 = vector.broadcast %broadcast_in_dim3A_37 : i32 to vector<16xi32>
    %jit3A = arith.constant 8 : i32
    %div3A = arith.divsi %mul3A_2, %jit3A : i32
    %sign3A = arith.constant 0 : i32
    %sign3A_39 = arith.cmpi sgt, %mul3A_2, %sign3A : i32
    %sign3A_40 = arith.extui %sign3A_39 : i1 to i32
    %sign3A_41 = arith.constant 0 : i32
    %sign3A_42 = arith.cmpi slt, %mul3A_2, %sign3A_41 : i32
    %sign3A_43 = arith.extui %sign3A_42 : i1 to i32
    %sign3A_44 = arith.subi %sign3A_40, %sign3A_43 : i32
    %sign3A_45 = arith.constant 0 : i32
    %sign3A_46 = arith.cmpi sgt, %jit3A, %sign3A_45 : i32
    %sign3A_47 = arith.extui %sign3A_46 : i1 to i32
    %sign3A_48 = arith.constant 0 : i32
    %sign3A_49 = arith.cmpi slt, %jit3A, %sign3A_48 : i32
    %sign3A_50 = arith.extui %sign3A_49 : i1 to i32
    %sign3A_51 = arith.subi %sign3A_47, %sign3A_50 : i32
    %ne3A = arith.cmpi ne, %sign3A_44, %sign3A_51 : i32
    %rem3A = arith.remsi %mul3A_2, %jit3A : i32
    %ne3A_52 = arith.constant 0 : i32
    %ne3A_53 = arith.cmpi ne, %rem3A, %ne3A_52 : i32
    %and3A = arith.andi %ne3A, %ne3A_53 : i1
    %sub3A = arith.constant 1 : i32
    %sub3A_54 = arith.subi %div3A, %sub3A : i32
    %select_n3A = arith.select %and3A, %sub3A_54, %div3A : i32
    %mul3A_55 = arith.constant 65536 : i32
    %mul3A_56 = arith.muli %select_n3A, %mul3A_55 : i32
    %jit3A_57 = arith.constant 8 : i32
    %eq3A = arith.constant 0 : i32
    %eq3A_58 = arith.cmpi eq, %jit3A_57, %eq3A : i32
    %jit3A_59 = arith.constant 1 : i32
    %select_n3A_60 = arith.select %eq3A_58, %jit3A_59, %jit3A_57 : i32
    %rem3A_61 = arith.remsi %mul3A_2, %select_n3A_60 : i32
    %ne3A_62 = arith.constant 0 : i32
    %ne3A_63 = arith.cmpi ne, %rem3A_61, %ne3A_62 : i32
    %lt3A = arith.constant 0 : i32
    %lt3A_64 = arith.cmpi slt, %rem3A_61, %lt3A : i32
    %lt3A_65 = arith.constant 0 : i32
    %lt3A_66 = arith.cmpi slt, %select_n3A_60, %lt3A_65 : i32
    %ne3A_67 = arith.xori %lt3A_64, %lt3A_66 : i1
    %and3A_68 = arith.andi %ne3A_67, %ne3A_63 : i1
    %add3A_69 = arith.addi %rem3A_61, %select_n3A_60 : i32
    %select_n3A_70 = arith.select %and3A_68, %add3A_69, %rem3A_61 : i32
    %mul3A_71 = arith.constant 128 : i32
    %mul3A_72 = arith.muli %select_n3A_70, %mul3A_71 : i32
    %add3A_73 = arith.addi %mul3A_56, %mul3A_72 : i32
    %add3A_74 = vector.broadcast %add3A_73 : i32 to vector<16xi32>
    %add3A_75 = arith.addi %add3A_74, %iota3A : vector<16xi32>
    %scan3A_76 = arith.constant 0 : i32
    %scan3A_77 = arith.constant 64 : i32
    %scan3A_78 = arith.addi %scan3A_76, %scan3A_77 : i32
    %scan3A_79 = arith.constant 1 : i32
    %scan3A_80 = scf.for %scan3A_336 = %scan3A_76 to %scan3A_78 step %scan3A_79 iter_args(%scan3A_337 = %add3A_75) -> (vector<16xi32>)  : i32 {
      %mul3A_338 = arith.constant 128 : i32
      %mul3A_339 = arith.muli %scan3A_336, %mul3A_338 : i32
      %add3A_340 = arith.constant 0 : i32
      %add3A_341 = arith.addi %mul3A_339, %add3A_340 : i32
      %get3A = arith.index_cast %add3A_341 : i32 to index
      %get3A_342 = tpu.vector_load %arg7[%get3A] {strides = array<i32>} : memref<8192xi32, #tpu.memory_space<vmem>>, vector<16xi32>,
      %add3A_343 = arith.constant 0 : i32
      %add3A_344 = vector.broadcast %add3A_343 : i32 to vector<16xi32>
      %add3A_345 = arith.addi %scan3A_337, %add3A_344 : vector<16xi32>
      %add3A_346 = arith.addi %add3A_345, %get3A_342 : vector<16xi32>
      %add3A_347 = arith.constant 0 : i32
      %add3A_348 = arith.addi %mul3A_339, %add3A_347 : i32
      %swap3A = arith.index_cast %add3A_348 : i32 to index
      %swap3A_349 = tpu.vector_load %arg10[%swap3A] {strides = array<i32>} : memref<8192xi32, #tpu.memory_space<vmem>>, vector<16xi32>,
      tpu.vector_store %arg10[%swap3A], %add3A_346 {strides = array<i32>} : memref<8192xi32, #tpu.memory_space<vmem>>, vector<16xi32>,
      %add3A_350 = arith.constant 16 : i32
      %add3A_351 = arith.addi %mul3A_339, %add3A_350 : i32
      %get3A_352 = arith.index_cast %add3A_351 : i32 to index
      %get3A_353 = tpu.vector_load %arg7[%get3A_352] {strides = array<i32>} : memref<8192xi32, #tpu.memory_space<vmem>>, vector<16xi32>,
      %add3A_354 = arith.constant 16 : i32
      %add3A_355 = vector.broadcast %add3A_354 : i32 to vector<16xi32>
      %add3A_356 = arith.addi %scan3A_337, %add3A_355 : vector<16xi32>
      %add3A_357 = arith.addi %add3A_356, %get3A_353 : vector<16xi32>
      %add3A_358 = arith.constant 16 : i32
      %add3A_359 = arith.addi %mul3A_339, %add3A_358 : i32
      %swap3A_360 = arith.index_cast %add3A_359 : i32 to index
      %swap3A_361 = tpu.vector_load %arg10[%swap3A_360] {strides = array<i32>} : memref<8192xi32, #tpu.memory_space<vmem>>, vector<16xi32>,
      tpu.vector_store %arg10[%swap3A_360], %add3A_357 {strides = array<i32>} : memref<8192xi32, #tpu.memory_space<vmem>>, vector<16xi32>,
      %add3A_362 = arith.constant 32 : i32
      %add3A_363 = arith.addi %mul3A_339, %add3A_362 : i32
      %get3A_364 = arith.index_cast %add3A_363 : i32 to index
      %get3A_365 = tpu.vector_load %arg7[%get3A_364] {strides = array<i32>} : memref<8192xi32, #tpu.memory_space<vmem>>, vector<16xi32>,
      %add3A_366 = arith.constant 32 : i32
      %add3A_367 = vector.broadcast %add3A_366 : i32 to vector<16xi32>
      %add3A_368 = arith.addi %scan3A_337, %add3A_367 : vector<16xi32>
      %add3A_369 = arith.addi %add3A_368, %get3A_365 : vector<16xi32>
      %add3A_370 = arith.constant 32 : i32
      %add3A_371 = arith.addi %mul3A_339, %add3A_370 : i32
      %swap3A_372 = arith.index_cast %add3A_371 : i32 to index
      %swap3A_373 = tpu.vector_load %arg10[%swap3A_372] {strides = array<i32>} : memref<8192xi32, #tpu.memory_space<vmem>>, vector<16xi32>,
      tpu.vector_store %arg10[%swap3A_372], %add3A_369 {strides = array<i32>} : memref<8192xi32, #tpu.memory_space<vmem>>, vector<16xi32>,
      %add3A_374 = arith.constant 48 : i32
      %add3A_375 = arith.addi %mul3A_339, %add3A_374 : i32
      %get3A_376 = arith.index_cast %add3A_375 : i32 to index
      %get3A_377 = tpu.vector_load %arg7[%get3A_376] {strides = array<i32>} : memref<8192xi32, #tpu.memory_space<vmem>>, vector<16xi32>,
      %add3A_378 = arith.constant 48 : i32
      %add3A_379 = vector.broadcast %add3A_378 : i32 to vector<16xi32>
      %add3A_380 = arith.addi %scan3A_337, %add3A_379 : vector<16xi32>
      %add3A_381 = arith.addi %add3A_380, %get3A_377 : vector<16xi32>
      %add3A_382 = arith.constant 48 : i32
      %add3A_383 = arith.addi %mul3A_339, %add3A_382 : i32
      %swap3A_384 = arith.index_cast %add3A_383 : i32 to index
      %swap3A_385 = tpu.vector_load %arg10[%swap3A_384] {strides = array<i32>} : memref<8192xi32, #tpu.memory_space<vmem>>, vector<16xi32>,
      tpu.vector_store %arg10[%swap3A_384], %add3A_381 {strides = array<i32>} : memref<8192xi32, #tpu.memory_space<vmem>>, vector<16xi32>,
      %add3A_386 = arith.constant 64 : i32
      %add3A_387 = arith.addi %mul3A_339, %add3A_386 : i32
      %get3A_388 = arith.index_cast %add3A_387 : i32 to index
      %get3A_389 = tpu.vector_load %arg7[%get3A_388] {strides = array<i32>} : memref<8192xi32, #tpu.memory_space<vmem>>, vector<16xi32>,
      %add3A_390 = arith.constant 64 : i32
      %add3A_391 = vector.broadcast %add3A_390 : i32 to vector<16xi32>
      %add3A_392 = arith.addi %scan3A_337, %add3A_391 : vector<16xi32>
      %add3A_393 = arith.addi %add3A_392, %get3A_389 : vector<16xi32>
      %add3A_394 = arith.constant 64 : i32
      %add3A_395 = arith.addi %mul3A_339, %add3A_394 : i32
      %swap3A_396 = arith.index_cast %add3A_395 : i32 to index
      %swap3A_397 = tpu.vector_load %arg10[%swap3A_396] {strides = array<i32>} : memref<8192xi32, #tpu.memory_space<vmem>>, vector<16xi32>,
      tpu.vector_store %arg10[%swap3A_396], %add3A_393 {strides = array<i32>} : memref<8192xi32, #tpu.memory_space<vmem>>, vector<16xi32>,
      %add3A_398 = arith.constant 80 : i32
      %add3A_399 = arith.addi %mul3A_339, %add3A_398 : i32
      %get3A_400 = arith.index_cast %add3A_399 : i32 to index
      %get3A_401 = tpu.vector_load %arg7[%get3A_400] {strides = array<i32>} : memref<8192xi32, #tpu.memory_space<vmem>>, vector<16xi32>,
      %add3A_402 = arith.constant 80 : i32
      %add3A_403 = vector.broadcast %add3A_402 : i32 to vector<16xi32>
      %add3A_404 = arith.addi %scan3A_337, %add3A_403 : vector<16xi32>
      %add3A_405 = arith.addi %add3A_404, %get3A_401 : vector<16xi32>
      %add3A_406 = arith.constant 80 : i32
      %add3A_407 = arith.addi %mul3A_339, %add3A_406 : i32
      %swap3A_408 = arith.index_cast %add3A_407 : i32 to index
      %swap3A_409 = tpu.vector_load %arg10[%swap3A_408] {strides = array<i32>} : memref<8192xi32, #tpu.memory_space<vmem>>, vector<16xi32>,
      tpu.vector_store %arg10[%swap3A_408], %add3A_405 {strides = array<i32>} : memref<8192xi32, #tpu.memory_space<vmem>>, vector<16xi32>,
      %add3A_410 = arith.constant 96 : i32
      %add3A_411 = arith.addi %mul3A_339, %add3A_410 : i32
      %get3A_412 = arith.index_cast %add3A_411 : i32 to index
      %get3A_413 = tpu.vector_load %arg7[%get3A_412] {strides = array<i32>} : memref<8192xi32, #tpu.memory_space<vmem>>, vector<16xi32>,
      %add3A_414 = arith.constant 96 : i32
      %add3A_415 = vector.broadcast %add3A_414 : i32 to vector<16xi32>
      %add3A_416 = arith.addi %scan3A_337, %add3A_415 : vector<16xi32>
      %add3A_417 = arith.addi %add3A_416, %get3A_413 : vector<16xi32>
      %add3A_418 = arith.constant 96 : i32
      %add3A_419 = arith.addi %mul3A_339, %add3A_418 : i32
      %swap3A_420 = arith.index_cast %add3A_419 : i32 to index
      %swap3A_421 = tpu.vector_load %arg10[%swap3A_420] {strides = array<i32>} : memref<8192xi32, #tpu.memory_space<vmem>>, vector<16xi32>,
      tpu.vector_store %arg10[%swap3A_420], %add3A_417 {strides = array<i32>} : memref<8192xi32, #tpu.memory_space<vmem>>, vector<16xi32>,
      %add3A_422 = arith.constant 112 : i32
      %add3A_423 = arith.addi %mul3A_339, %add3A_422 : i32
      %get3A_424 = arith.index_cast %add3A_423 : i32 to index
      %get3A_425 = tpu.vector_load %arg7[%get3A_424] {strides = array<i32>} : memref<8192xi32, #tpu.memory_space<vmem>>, vector<16xi32>,
      %add3A_426 = arith.constant 112 : i32
      %add3A_427 = vector.broadcast %add3A_426 : i32 to vector<16xi32>
      %add3A_428 = arith.addi %scan3A_337, %add3A_427 : vector<16xi32>
      %add3A_429 = arith.addi %add3A_428, %get3A_425 : vector<16xi32>
      %add3A_430 = arith.constant 112 : i32
      %add3A_431 = arith.addi %mul3A_339, %add3A_430 : i32
      %swap3A_432 = arith.index_cast %add3A_431 : i32 to index
      %swap3A_433 = tpu.vector_load %arg10[%swap3A_432] {strides = array<i32>} : memref<8192xi32, #tpu.memory_space<vmem>>, vector<16xi32>,
      tpu.vector_store %arg10[%swap3A_432], %add3A_429 {strides = array<i32>} : memref<8192xi32, #tpu.memory_space<vmem>>, vector<16xi32>,
      %mul3A_434 = arith.constant 128 : i32
      %mul3A_435 = arith.muli %scan3A_336, %mul3A_434 : i32
      %mul3A_436 = arith.constant 128 : i32
      %mul3A_437 = arith.muli %scan3A_336, %mul3A_436 : i32
      %dma_start3A_438 = tpu.memref_slice %arg11[%mul3A_437] : memref<8192xf32, #tpu.memory_space<vmem>> -> memref<128xf32, #tpu.memory_space<vmem>>
      %dma_start3A_439 = tpu.memref_slice %arg10[%mul3A_435] : memref<8192xi32, #tpu.memory_space<vmem>> -> memref<128xi32, #tpu.memory_space<vmem>>
      %dma_start3A_440 = arith.constant 0 : i32
      %dma_start3A_441 = tpu.memref_slice %arg2[%dma_start3A_440] : memref<11010048xf32, #tpu.memory_space<hbm>> -> memref<11010048xf32, #tpu.memory_space<hbm>>
      tpu.enqueue_indirect_dma source(%dma_start3A_441 : memref<11010048xf32, #tpu.memory_space<hbm>>) target(%dma_start3A_438 : memref<128xf32, #tpu.memory_space<vmem>>) offsets(%dma_start3A_439 : memref<128xi32, #tpu.memory_space<vmem>>) semaphore(%arg19 : memref<!tpu.dma_semaphore, #tpu.memory_space<semaphore_mem>>)
      %add3A_442 = arith.constant 1024 : i32
      %add3A_443 = vector.broadcast %add3A_442 : i32 to vector<16xi32>
      %add3A_444 = arith.addi %scan3A_337, %add3A_443 : vector<16xi32>
      scf.yield %add3A_444 : vector<16xi32>
    }
    %scan3A_81 = arith.constant 64 : i32
    %add3A_82 = arith.constant 1 : i32
    %add3A_83 = arith.addi %mul3A_2, %add3A_82 : i32
    %jit3A_84 = arith.constant 8 : i32
    %div3A_85 = arith.divsi %add3A_83, %jit3A_84 : i32
    %sign3A_86 = arith.constant 0 : i32
    %sign3A_87 = arith.cmpi sgt, %add3A_83, %sign3A_86 : i32
    %sign3A_88 = arith.extui %sign3A_87 : i1 to i32
    %sign3A_89 = arith.constant 0 : i32
    %sign3A_90 = arith.cmpi slt, %add3A_83, %sign3A_89 : i32
    %sign3A_91 = arith.extui %sign3A_90 : i1 to i32
    %sign3A_92 = arith.subi %sign3A_88, %sign3A_91 : i32
    %sign3A_93 = arith.constant 0 : i32
    %sign3A_94 = arith.cmpi sgt, %jit3A_84, %sign3A_93 : i32
    %sign3A_95 = arith.extui %sign3A_94 : i1 to i32
    %sign3A_96 = arith.constant 0 : i32
    %sign3A_97 = arith.cmpi slt, %jit3A_84, %sign3A_96 : i32
    %sign3A_98 = arith.extui %sign3A_97 : i1 to i32
    %sign3A_99 = arith.subi %sign3A_95, %sign3A_98 : i32
    %ne3A_100 = arith.cmpi ne, %sign3A_92, %sign3A_99 : i32
    %rem3A_101 = arith.remsi %add3A_83, %jit3A_84 : i32
    %ne3A_102 = arith.constant 0 : i32
    %ne3A_103 = arith.cmpi ne, %rem3A_101, %ne3A_102 : i32
    %and3A_104 = arith.andi %ne3A_100, %ne3A_103 : i1
    %sub3A_105 = arith.constant 1 : i32
    %sub3A_106 = arith.subi %div3A_85, %sub3A_105 : i32
    %select_n3A_107 = arith.select %and3A_104, %sub3A_106, %div3A_85 : i32
    %mul3A_108 = arith.constant 65536 : i32
    %mul3A_109 = arith.muli %select_n3A_107, %mul3A_108 : i32
    %jit3A_110 = arith.constant 8 : i32
    %eq3A_111 = arith.constant 0 : i32
    %eq3A_112 = arith.cmpi eq, %jit3A_110, %eq3A_111 : i32
    %jit3A_113 = arith.constant 1 : i32
    %select_n3A_114 = arith.select %eq3A_112, %jit3A_113, %jit3A_110 : i32
    %rem3A_115 = arith.remsi %add3A_83, %select_n3A_114 : i32
    %ne3A_116 = arith.constant 0 : i32
    %ne3A_117 = arith.cmpi ne, %rem3A_115, %ne3A_116 : i32
    %lt3A_118 = arith.constant 0 : i32
    %lt3A_119 = arith.cmpi slt, %rem3A_115, %lt3A_118 : i32
    %lt3A_120 = arith.constant 0 : i32
    %lt3A_121 = arith.cmpi slt, %select_n3A_114, %lt3A_120 : i32
    %ne3A_122 = arith.xori %lt3A_119, %lt3A_121 : i1
    %and3A_123 = arith.andi %ne3A_122, %ne3A_117 : i1
    %add3A_124 = arith.addi %rem3A_115, %select_n3A_114 : i32
    %select_n3A_125 = arith.select %and3A_123, %add3A_124, %rem3A_115 : i32
    %mul3A_126 = arith.constant 128 : i32
    %mul3A_127 = arith.muli %select_n3A_125, %mul3A_126 : i32
    %add3A_128 = arith.addi %mul3A_109, %mul3A_127 : i32
    %add3A_129 = vector.broadcast %add3A_128 : i32 to vector<16xi32>
    %add3A_130 = arith.addi %add3A_129, %iota3A : vector<16xi32>
    %scan3A_131 = arith.constant 0 : i32
    %scan3A_132 = arith.constant 64 : i32
    %scan3A_133 = arith.addi %scan3A_131, %scan3A_132 : i32
    %scan3A_134 = arith.constant 1 : i32
    %scan3A_135 = scf.for %scan3A_336 = %scan3A_131 to %scan3A_133 step %scan3A_134 iter_args(%scan3A_337 = %add3A_130) -> (vector<16xi32>)  : i32 {
      %mul3A_338 = arith.constant 128 : i32
      %mul3A_339 = arith.muli %scan3A_336, %mul3A_338 : i32
      %add3A_340 = arith.constant 0 : i32
      %add3A_341 = arith.addi %mul3A_339, %add3A_340 : i32
      %get3A = arith.index_cast %add3A_341 : i32 to index
      %get3A_342 = tpu.vector_load %arg7[%get3A] {strides = array<i32>} : memref<8192xi32, #tpu.memory_space<vmem>>, vector<16xi32>,
      %add3A_343 = arith.constant 0 : i32
      %add3A_344 = vector.broadcast %add3A_343 : i32 to vector<16xi32>
      %add3A_345 = arith.addi %scan3A_337, %add3A_344 : vector<16xi32>
      %add3A_346 = arith.addi %add3A_345, %get3A_342 : vector<16xi32>
      %add3A_347 = arith.constant 0 : i32
      %add3A_348 = arith.addi %mul3A_339, %add3A_347 : i32
      %swap3A = arith.index_cast %add3A_348 : i32 to index
      %swap3A_349 = tpu.vector_load %arg14[%swap3A] {strides = array<i32>} : memref<8192xi32, #tpu.memory_space<vmem>>, vector<16xi32>,
      tpu.vector_store %arg14[%swap3A], %add3A_346 {strides = array<i32>} : memref<8192xi32, #tpu.memory_space<vmem>>, vector<16xi32>,
      %add3A_350 = arith.constant 16 : i32
      %add3A_351 = arith.addi %mul3A_339, %add3A_350 : i32
      %get3A_352 = arith.index_cast %add3A_351 : i32 to index
      %get3A_353 = tpu.vector_load %arg7[%get3A_352] {strides = array<i32>} : memref<8192xi32, #tpu.memory_space<vmem>>, vector<16xi32>,
      %add3A_354 = arith.constant 16 : i32
      %add3A_355 = vector.broadcast %add3A_354 : i32 to vector<16xi32>
      %add3A_356 = arith.addi %scan3A_337, %add3A_355 : vector<16xi32>
      %add3A_357 = arith.addi %add3A_356, %get3A_353 : vector<16xi32>
      %add3A_358 = arith.constant 16 : i32
      %add3A_359 = arith.addi %mul3A_339, %add3A_358 : i32
      %swap3A_360 = arith.index_cast %add3A_359 : i32 to index
      %swap3A_361 = tpu.vector_load %arg14[%swap3A_360] {strides = array<i32>} : memref<8192xi32, #tpu.memory_space<vmem>>, vector<16xi32>,
      tpu.vector_store %arg14[%swap3A_360], %add3A_357 {strides = array<i32>} : memref<8192xi32, #tpu.memory_space<vmem>>, vector<16xi32>,
      %add3A_362 = arith.constant 32 : i32
      %add3A_363 = arith.addi %mul3A_339, %add3A_362 : i32
      %get3A_364 = arith.index_cast %add3A_363 : i32 to index
      %get3A_365 = tpu.vector_load %arg7[%get3A_364] {strides = array<i32>} : memref<8192xi32, #tpu.memory_space<vmem>>, vector<16xi32>,
      %add3A_366 = arith.constant 32 : i32
      %add3A_367 = vector.broadcast %add3A_366 : i32 to vector<16xi32>
      %add3A_368 = arith.addi %scan3A_337, %add3A_367 : vector<16xi32>
      %add3A_369 = arith.addi %add3A_368, %get3A_365 : vector<16xi32>
      %add3A_370 = arith.constant 32 : i32
      %add3A_371 = arith.addi %mul3A_339, %add3A_370 : i32
      %swap3A_372 = arith.index_cast %add3A_371 : i32 to index
      %swap3A_373 = tpu.vector_load %arg14[%swap3A_372] {strides = array<i32>} : memref<8192xi32, #tpu.memory_space<vmem>>, vector<16xi32>,
      tpu.vector_store %arg14[%swap3A_372], %add3A_369 {strides = array<i32>} : memref<8192xi32, #tpu.memory_space<vmem>>, vector<16xi32>,
      %add3A_374 = arith.constant 48 : i32
      %add3A_375 = arith.addi %mul3A_339, %add3A_374 : i32
      %get3A_376 = arith.index_cast %add3A_375 : i32 to index
      %get3A_377 = tpu.vector_load %arg7[%get3A_376] {strides = array<i32>} : memref<8192xi32, #tpu.memory_space<vmem>>, vector<16xi32>,
      %add3A_378 = arith.constant 48 : i32
      %add3A_379 = vector.broadcast %add3A_378 : i32 to vector<16xi32>
      %add3A_380 = arith.addi %scan3A_337, %add3A_379 : vector<16xi32>
      %add3A_381 = arith.addi %add3A_380, %get3A_377 : vector<16xi32>
      %add3A_382 = arith.constant 48 : i32
      %add3A_383 = arith.addi %mul3A_339, %add3A_382 : i32
      %swap3A_384 = arith.index_cast %add3A_383 : i32 to index
      %swap3A_385 = tpu.vector_load %arg14[%swap3A_384] {strides = array<i32>} : memref<8192xi32, #tpu.memory_space<vmem>>, vector<16xi32>,
      tpu.vector_store %arg14[%swap3A_384], %add3A_381 {strides = array<i32>} : memref<8192xi32, #tpu.memory_space<vmem>>, vector<16xi32>,
      %add3A_386 = arith.constant 64 : i32
      %add3A_387 = arith.addi %mul3A_339, %add3A_386 : i32
      %get3A_388 = arith.index_cast %add3A_387 : i32 to index
      %get3A_389 = tpu.vector_load %arg7[%get3A_388] {strides = array<i32>} : memref<8192xi32, #tpu.memory_space<vmem>>, vector<16xi32>,
      %add3A_390 = arith.constant 64 : i32
      %add3A_391 = vector.broadcast %add3A_390 : i32 to vector<16xi32>
      %add3A_392 = arith.addi %scan3A_337, %add3A_391 : vector<16xi32>
      %add3A_393 = arith.addi %add3A_392, %get3A_389 : vector<16xi32>
      %add3A_394 = arith.constant 64 : i32
      %add3A_395 = arith.addi %mul3A_339, %add3A_394 : i32
      %swap3A_396 = arith.index_cast %add3A_395 : i32 to index
      %swap3A_397 = tpu.vector_load %arg14[%swap3A_396] {strides = array<i32>} : memref<8192xi32, #tpu.memory_space<vmem>>, vector<16xi32>,
      tpu.vector_store %arg14[%swap3A_396], %add3A_393 {strides = array<i32>} : memref<8192xi32, #tpu.memory_space<vmem>>, vector<16xi32>,
      %add3A_398 = arith.constant 80 : i32
      %add3A_399 = arith.addi %mul3A_339, %add3A_398 : i32
      %get3A_400 = arith.index_cast %add3A_399 : i32 to index
      %get3A_401 = tpu.vector_load %arg7[%get3A_400] {strides = array<i32>} : memref<8192xi32, #tpu.memory_space<vmem>>, vector<16xi32>,
      %add3A_402 = arith.constant 80 : i32
      %add3A_403 = vector.broadcast %add3A_402 : i32 to vector<16xi32>
      %add3A_404 = arith.addi %scan3A_337, %add3A_403 : vector<16xi32>
      %add3A_405 = arith.addi %add3A_404, %get3A_401 : vector<16xi32>
      %add3A_406 = arith.constant 80 : i32
      %add3A_407 = arith.addi %mul3A_339, %add3A_406 : i32
      %swap3A_408 = arith.index_cast %add3A_407 : i32 to index
      %swap3A_409 = tpu.vector_load %arg14[%swap3A_408] {strides = array<i32>} : memref<8192xi32, #tpu.memory_space<vmem>>, vector<16xi32>,
      tpu.vector_store %arg14[%swap3A_408], %add3A_405 {strides = array<i32>} : memref<8192xi32, #tpu.memory_space<vmem>>, vector<16xi32>,
      %add3A_410 = arith.constant 96 : i32
      %add3A_411 = arith.addi %mul3A_339, %add3A_410 : i32
      %get3A_412 = arith.index_cast %add3A_411 : i32 to index
      %get3A_413 = tpu.vector_load %arg7[%get3A_412] {strides = array<i32>} : memref<8192xi32, #tpu.memory_space<vmem>>, vector<16xi32>,
      %add3A_414 = arith.constant 96 : i32
      %add3A_415 = vector.broadcast %add3A_414 : i32 to vector<16xi32>
      %add3A_416 = arith.addi %scan3A_337, %add3A_415 : vector<16xi32>
      %add3A_417 = arith.addi %add3A_416, %get3A_413 : vector<16xi32>
      %add3A_418 = arith.constant 96 : i32
      %add3A_419 = arith.addi %mul3A_339, %add3A_418 : i32
      %swap3A_420 = arith.index_cast %add3A_419 : i32 to index
      %swap3A_421 = tpu.vector_load %arg14[%swap3A_420] {strides = array<i32>} : memref<8192xi32, #tpu.memory_space<vmem>>, vector<16xi32>,
      tpu.vector_store %arg14[%swap3A_420], %add3A_417 {strides = array<i32>} : memref<8192xi32, #tpu.memory_space<vmem>>, vector<16xi32>,
      %add3A_422 = arith.constant 112 : i32
      %add3A_423 = arith.addi %mul3A_339, %add3A_422 : i32
      %get3A_424 = arith.index_cast %add3A_423 : i32 to index
      %get3A_425 = tpu.vector_load %arg7[%get3A_424] {strides = array<i32>} : memref<8192xi32, #tpu.memory_space<vmem>>, vector<16xi32>,
      %add3A_426 = arith.constant 112 : i32
      %add3A_427 = vector.broadcast %add3A_426 : i32 to vector<16xi32>
      %add3A_428 = arith.addi %scan3A_337, %add3A_427 : vector<16xi32>
      %add3A_429 = arith.addi %add3A_428, %get3A_425 : vector<16xi32>
      %add3A_430 = arith.constant 112 : i32
      %add3A_431 = arith.addi %mul3A_339, %add3A_430 : i32
      %swap3A_432 = arith.index_cast %add3A_431 : i32 to index
      %swap3A_433 = tpu.vector_load %arg14[%swap3A_432] {strides = array<i32>} : memref<8192xi32, #tpu.memory_space<vmem>>, vector<16xi32>,
      tpu.vector_store %arg14[%swap3A_432], %add3A_429 {strides = array<i32>} : memref<8192xi32, #tpu.memory_space<vmem>>, vector<16xi32>,
      %mul3A_434 = arith.constant 128 : i32
      %mul3A_435 = arith.muli %scan3A_336, %mul3A_434 : i32
      %mul3A_436 = arith.constant 128 : i32
      %mul3A_437 = arith.muli %scan3A_336, %mul3A_436 : i32
      %dma_start3A_438 = tpu.memref_slice %arg15[%mul3A_437] : memref<8192xf32, #tpu.memory_space<vmem>> -> memref<128xf32, #tpu.memory_space<vmem>>
      %dma_start3A_439 = tpu.memref_slice %arg14[%mul3A_435] : memref<8192xi32, #tpu.memory_space<vmem>> -> memref<128xi32, #tpu.memory_space<vmem>>
      %dma_start3A_440 = arith.constant 0 : i32
      %dma_start3A_441 = tpu.memref_slice %arg2[%dma_start3A_440] : memref<11010048xf32, #tpu.memory_space<hbm>> -> memref<11010048xf32, #tpu.memory_space<hbm>>
      tpu.enqueue_indirect_dma source(%dma_start3A_441 : memref<11010048xf32, #tpu.memory_space<hbm>>) target(%dma_start3A_438 : memref<128xf32, #tpu.memory_space<vmem>>) offsets(%dma_start3A_439 : memref<128xi32, #tpu.memory_space<vmem>>) semaphore(%arg20 : memref<!tpu.dma_semaphore, #tpu.memory_space<semaphore_mem>>)
      %add3A_442 = arith.constant 1024 : i32
      %add3A_443 = vector.broadcast %add3A_442 : i32 to vector<16xi32>
      %add3A_444 = arith.addi %scan3A_337, %add3A_443 : vector<16xi32>
      scf.yield %add3A_444 : vector<16xi32>
    }
    %scan3A_136 = arith.constant 64 : i32
    %scan3A_137 = arith.constant 0 : i32
    %scan3A_138 = arith.constant 0 : i32
    %scan3A_139 = arith.constant 64 : i32
    %scan3A_140 = arith.addi %scan3A_138, %scan3A_139 : i32
    %scan3A_141 = arith.constant 1 : i32
    %scan3A_142 = scf.for %scan3A_336 = %scan3A_138 to %scan3A_140 step %scan3A_141 iter_args(%scan3A_337 = %scan3A_137) -> (i32)  : i32 {
      %mul3A_338 = arith.constant 128 : i32
      %mul3A_339 = arith.muli %scan3A_336, %mul3A_338 : i32
      %mul3A_340 = arith.constant 128 : i32
      %mul3A_341 = arith.muli %scan3A_336, %mul3A_340 : i32
      %dma_wait3A_342 = tpu.memref_slice %arg11[%mul3A_341] : memref<8192xf32, #tpu.memory_space<vmem>> -> memref<128xf32, #tpu.memory_space<vmem>>
      %dma_wait3A_343 = tpu.memref_slice %arg10[%mul3A_339] : memref<8192xi32, #tpu.memory_space<vmem>> -> memref<128xi32, #tpu.memory_space<vmem>>
      %dma_wait3A_344 = arith.constant 0 : i32
      %dma_wait3A_345 = tpu.memref_slice %arg2[%dma_wait3A_344] : memref<11010048xf32, #tpu.memory_space<hbm>> -> memref<11010048xf32, #tpu.memory_space<hbm>>
      tpu.wait_indirect_dma semaphore(%arg19 : memref<!tpu.dma_semaphore, #tpu.memory_space<semaphore_mem>>) src(%dma_wait3A_345 : memref<11010048xf32, #tpu.memory_space<hbm>>) dst(%dma_wait3A_342 : memref<128xf32, #tpu.memory_space<vmem>>)
      %scan3A_346 = arith.constant 0 : i32
      scf.yield %scan3A_346 : i32
    }
    %scan3A_143 = arith.constant 64 : i32
    %dma_wait3A = arith.constant 0 : i32
    %dma_wait3A_144 = tpu.memref_slice %arg3[%mul3A_2, %dma_wait3A] : memref<64x8192xf32, #tpu.memory_space<hbm>> -> memref<1x8192xf32, #tpu.memory_space<hbm>>
    %dma_wait3A_145 = tpu.memref_squeeze %dma_wait3A_144 : memref<1x8192xf32, #tpu.memory_space<hbm>> -> memref<8192xf32, #tpu.memory_space<hbm>>
    %dma_wait3A_146 = arith.constant 0 : i32
    %dma_wait3A_147 = tpu.memref_slice %arg3[%mul3A_2, %dma_wait3A_146] : memref<64x8192xf32, #tpu.memory_space<hbm>> -> memref<1x8192xf32, #tpu.memory_space<hbm>>
    %dma_wait3A_148 = tpu.memref_squeeze %dma_wait3A_147 : memref<1x8192xf32, #tpu.memory_space<hbm>> -> memref<8192xf32, #tpu.memory_space<hbm>>
    tpu.wait_dma2 semaphore(%arg17 : memref<!tpu.dma_semaphore, #tpu.memory_space<semaphore_mem>>) src(%dma_wait3A_148 : memref<8192xf32, #tpu.memory_space<hbm>>) dst(%arg8 : memref<8192xf32, #tpu.memory_space<vmem>>)
    %dma_wait3A_149 = arith.constant 0 : i32
    %dma_wait3A_150 = tpu.memref_slice %arg4[%mul3A_2, %dma_wait3A_149] : memref<64x8192xi32, #tpu.memory_space<hbm>> -> memref<1x8192xi32, #tpu.memory_space<hbm>>
    %dma_wait3A_151 = tpu.memref_squeeze %dma_wait3A_150 : memref<1x8192xi32, #tpu.memory_space<hbm>> -> memref<8192xi32, #tpu.memory_space<hbm>>
    %dma_wait3A_152 = arith.constant 0 : i32
    %dma_wait3A_153 = tpu.memref_slice %arg4[%mul3A_2, %dma_wait3A_152] : memref<64x8192xi32, #tpu.memory_space<hbm>> -> memref<1x8192xi32, #tpu.memory_space<hbm>>
    %dma_wait3A_154 = tpu.memref_squeeze %dma_wait3A_153 : memref<1x8192xi32, #tpu.memory_space<hbm>> -> memref<8192xi32, #tpu.memory_space<hbm>>
    tpu.wait_dma2 semaphore(%arg17 : memref<!tpu.dma_semaphore, #tpu.memory_space<semaphore_mem>>) src(%dma_wait3A_154 : memref<8192xi32, #tpu.memory_space<hbm>>) dst(%arg9 : memref<8192xi32, #tpu.memory_space<vmem>>)
    %scan3A_155 = arith.constant 0 : i32
    %scan3A_156 = arith.constant 64 : i32
    %scan3A_157 = arith.addi %scan3A_155, %scan3A_156 : i32
    %scan3A_158 = arith.constant 1 : i32
    %scan3A_159:12 = scf.for %scan3A_336 = %scan3A_155 to %scan3A_157 step %scan3A_158 iter_args(%scan3A_337 = %broadcast_in_dim3A_36, %scan3A_338 = %broadcast_in_dim3A_36, %scan3A_339 = %broadcast_in_dim3A_36, %scan3A_340 = %broadcast_in_dim3A_38, %scan3A_341 = %broadcast_in_dim3A_38, %scan3A_342 = %broadcast_in_dim3A_38, %scan3A_343 = %broadcast_in_dim3A_36, %scan3A_344 = %broadcast_in_dim3A_36, %scan3A_345 = %broadcast_in_dim3A_36, %scan3A_346 = %broadcast_in_dim3A_38, %scan3A_347 = %broadcast_in_dim3A_38, %scan3A_348 = %broadcast_in_dim3A_38) -> (vector<16xf32>, vector<16xf32>, vector<16xf32>, vector<16xi32>, vector<16xi32>, vector<16xi32>, vector<16xf32>, vector<16xf32>, vector<16xf32>, vector<16xi32>, vector<16xi32>, vector<16xi32>)  : i32 {
      %mul3A_349 = arith.constant 128 : i32
      %mul3A_350 = arith.muli %scan3A_336, %mul3A_349 : i32
      %add3A_351 = arith.constant 0 : i32
      %add3A_352 = arith.addi %mul3A_350, %add3A_351 : i32
      %get3A = arith.index_cast %add3A_352 : i32 to index
      %get3A_353 = tpu.vector_load %arg8[%get3A] {strides = array<i32>} : memref<8192xf32, #tpu.memory_space<vmem>>, vector<16xf32>,
      %add3A_354 = arith.constant 0 : i32
      %add3A_355 = arith.addi %mul3A_350, %add3A_354 : i32
      %get3A_356 = arith.index_cast %add3A_355 : i32 to index
      %get3A_357 = tpu.vector_load %arg11[%get3A_356] {strides = array<i32>} : memref<8192xf32, #tpu.memory_space<vmem>>, vector<16xf32>,
      %sub3A_358 = arith.subf %get3A_353, %get3A_357 : vector<16xf32>
      %add3A_359 = arith.constant 0 : i32
      %add3A_360 = arith.addi %mul3A_350, %add3A_359 : i32
      %get3A_361 = arith.index_cast %add3A_360 : i32 to index
      %get3A_362 = tpu.vector_load %arg9[%get3A_361] {strides = array<i32>} : memref<8192xi32, #tpu.memory_space<vmem>>, vector<16xi32>,
      %shift_left3A = arith.constant 19 : i32
      %shift_left3A_363 = vector.broadcast %shift_left3A : i32 to vector<16xi32>
      %shift_left3A_364 = arith.shli %get3A_362, %shift_left3A_363 : vector<16xi32>
      %add3A_365 = arith.constant 0 : i32
      %add3A_366 = arith.addi %mul3A_350, %add3A_365 : i32
      %get3A_367 = arith.index_cast %add3A_366 : i32 to index
      %get3A_368 = tpu.vector_load %arg7[%get3A_367] {strides = array<i32>} : memref<8192xi32, #tpu.memory_space<vmem>>, vector<16xi32>,
      %ne3A_369 = arith.cmpi ne, %shift_left3A_364, %get3A_368 : vector<16xi32>
      %select_n3A_370 = arith.select %ne3A_369, %sub3A_358, %broadcast_in_dim3A_36 : vector<16xi1>, vector<16xf32>
      %add3A_371 = arith.constant 0 : i32
      %add3A_372 = arith.addi %mul3A_350, %add3A_371 : i32
      %add3A_373 = vector.broadcast %add3A_372 : i32 to vector<16xi32>
      %add3A_374 = arith.addi %add3A_373, %iota3A : vector<16xi32>
      %gt3A_375 = arith.cmpf ogt, %select_n3A_370, %scan3A_337 : vector<16xf32>
      %select_n3A_376 = arith.select %gt3A_375, %select_n3A_370, %scan3A_337 : vector<16xi1>, vector<16xf32>
      %select_n3A_377 = arith.select %gt3A_375, %scan3A_337, %select_n3A_370 : vector<16xi1>, vector<16xf32>
      %select_n3A_378 = arith.select %gt3A_375, %add3A_374, %scan3A_340 : vector<16xi1>, vector<16xi32>
      %select_n3A_379 = arith.select %gt3A_375, %scan3A_340, %add3A_374 : vector<16xi1>, vector<16xi32>
      %gt3A_380 = arith.cmpf ogt, %select_n3A_377, %scan3A_338 : vector<16xf32>
      %select_n3A_381 = arith.select %gt3A_380, %select_n3A_377, %scan3A_338 : vector<16xi1>, vector<16xf32>
      %select_n3A_382 = arith.select %gt3A_380, %scan3A_338, %select_n3A_377 : vector<16xi1>, vector<16xf32>
      %select_n3A_383 = arith.select %gt3A_380, %select_n3A_379, %scan3A_341 : vector<16xi1>, vector<16xi32>
      %select_n3A_384 = arith.select %gt3A_380, %scan3A_341, %select_n3A_379 : vector<16xi1>, vector<16xi32>
      %gt3A_385 = arith.cmpf ogt, %select_n3A_382, %scan3A_339 : vector<16xf32>
      %select_n3A_386 = arith.select %gt3A_385, %select_n3A_382, %scan3A_339 : vector<16xi1>, vector<16xf32>
      %select_n3A_387 = arith.select %gt3A_385, %select_n3A_384, %scan3A_342 : vector<16xi1>, vector<16xi32>
      %add3A_388 = arith.constant 16 : i32
      %add3A_389 = arith.addi %mul3A_350, %add3A_388 : i32
      %get3A_390 = arith.index_cast %add3A_389 : i32 to index
      %get3A_391 = tpu.vector_load %arg8[%get3A_390] {strides = array<i32>} : memref<8192xf32, #tpu.memory_space<vmem>>, vector<16xf32>,
      %add3A_392 = arith.constant 16 : i32
      %add3A_393 = arith.addi %mul3A_350, %add3A_392 : i32
      %get3A_394 = arith.index_cast %add3A_393 : i32 to index
      %get3A_395 = tpu.vector_load %arg11[%get3A_394] {strides = array<i32>} : memref<8192xf32, #tpu.memory_space<vmem>>, vector<16xf32>,
      %sub3A_396 = arith.subf %get3A_391, %get3A_395 : vector<16xf32>
      %add3A_397 = arith.constant 16 : i32
      %add3A_398 = arith.addi %mul3A_350, %add3A_397 : i32
      %get3A_399 = arith.index_cast %add3A_398 : i32 to index
      %get3A_400 = tpu.vector_load %arg9[%get3A_399] {strides = array<i32>} : memref<8192xi32, #tpu.memory_space<vmem>>, vector<16xi32>,
      %shift_left3A_401 = arith.constant 19 : i32
      %shift_left3A_402 = vector.broadcast %shift_left3A_401 : i32 to vector<16xi32>
      %shift_left3A_403 = arith.shli %get3A_400, %shift_left3A_402 : vector<16xi32>
      %add3A_404 = arith.constant 16 : i32
      %add3A_405 = arith.addi %mul3A_350, %add3A_404 : i32
      %get3A_406 = arith.index_cast %add3A_405 : i32 to index
      %get3A_407 = tpu.vector_load %arg7[%get3A_406] {strides = array<i32>} : memref<8192xi32, #tpu.memory_space<vmem>>, vector<16xi32>,
      %ne3A_408 = arith.cmpi ne, %shift_left3A_403, %get3A_407 : vector<16xi32>
      %select_n3A_409 = arith.select %ne3A_408, %sub3A_396, %broadcast_in_dim3A_36 : vector<16xi1>, vector<16xf32>
      %add3A_410 = arith.constant 16 : i32
      %add3A_411 = arith.addi %mul3A_350, %add3A_410 : i32
      %add3A_412 = vector.broadcast %add3A_411 : i32 to vector<16xi32>
      %add3A_413 = arith.addi %add3A_412, %iota3A : vector<16xi32>
      %gt3A_414 = arith.cmpf ogt, %select_n3A_409, %scan3A_343 : vector<16xf32>
      %select_n3A_415 = arith.select %gt3A_414, %select_n3A_409, %scan3A_343 : vector<16xi1>, vector<16xf32>
      %select_n3A_416 = arith.select %gt3A_414, %scan3A_343, %select_n3A_409 : vector<16xi1>, vector<16xf32>
      %select_n3A_417 = arith.select %gt3A_414, %add3A_413, %scan3A_346 : vector<16xi1>, vector<16xi32>
      %select_n3A_418 = arith.select %gt3A_414, %scan3A_346, %add3A_413 : vector<16xi1>, vector<16xi32>
      %gt3A_419 = arith.cmpf ogt, %select_n3A_416, %scan3A_344 : vector<16xf32>
      %select_n3A_420 = arith.select %gt3A_419, %select_n3A_416, %scan3A_344 : vector<16xi1>, vector<16xf32>
      %select_n3A_421 = arith.select %gt3A_419, %scan3A_344, %select_n3A_416 : vector<16xi1>, vector<16xf32>
      %select_n3A_422 = arith.select %gt3A_419, %select_n3A_418, %scan3A_347 : vector<16xi1>, vector<16xi32>
      %select_n3A_423 = arith.select %gt3A_419, %scan3A_347, %select_n3A_418 : vector<16xi1>, vector<16xi32>
      %gt3A_424 = arith.cmpf ogt, %select_n3A_421, %scan3A_345 : vector<16xf32>
      %select_n3A_425 = arith.select %gt3A_424, %select_n3A_421, %scan3A_345 : vector<16xi1>, vector<16xf32>
      %select_n3A_426 = arith.select %gt3A_424, %select_n3A_423, %scan3A_348 : vector<16xi1>, vector<16xi32>
      %add3A_427 = arith.constant 32 : i32
      %add3A_428 = arith.addi %mul3A_350, %add3A_427 : i32
      %get3A_429 = arith.index_cast %add3A_428 : i32 to index
      %get3A_430 = tpu.vector_load %arg8[%get3A_429] {strides = array<i32>} : memref<8192xf32, #tpu.memory_space<vmem>>, vector<16xf32>,
      %add3A_431 = arith.constant 32 : i32
      %add3A_432 = arith.addi %mul3A_350, %add3A_431 : i32
      %get3A_433 = arith.index_cast %add3A_432 : i32 to index
      %get3A_434 = tpu.vector_load %arg11[%get3A_433] {strides = array<i32>} : memref<8192xf32, #tpu.memory_space<vmem>>, vector<16xf32>,
      %sub3A_435 = arith.subf %get3A_430, %get3A_434 : vector<16xf32>
      %add3A_436 = arith.constant 32 : i32
      %add3A_437 = arith.addi %mul3A_350, %add3A_436 : i32
      %get3A_438 = arith.index_cast %add3A_437 : i32 to index
      %get3A_439 = tpu.vector_load %arg9[%get3A_438] {strides = array<i32>} : memref<8192xi32, #tpu.memory_space<vmem>>, vector<16xi32>,
      %shift_left3A_440 = arith.constant 19 : i32
      %shift_left3A_441 = vector.broadcast %shift_left3A_440 : i32 to vector<16xi32>
      %shift_left3A_442 = arith.shli %get3A_439, %shift_left3A_441 : vector<16xi32>
      %add3A_443 = arith.constant 32 : i32
      %add3A_444 = arith.addi %mul3A_350, %add3A_443 : i32
      %get3A_445 = arith.index_cast %add3A_444 : i32 to index
      %get3A_446 = tpu.vector_load %arg7[%get3A_445] {strides = array<i32>} : memref<8192xi32, #tpu.memory_space<vmem>>, vector<16xi32>,
      %ne3A_447 = arith.cmpi ne, %shift_left3A_442, %get3A_446 : vector<16xi32>
      %select_n3A_448 = arith.select %ne3A_447, %sub3A_435, %broadcast_in_dim3A_36 : vector<16xi1>, vector<16xf32>
      %add3A_449 = arith.constant 32 : i32
      %add3A_450 = arith.addi %mul3A_350, %add3A_449 : i32
      %add3A_451 = vector.broadcast %add3A_450 : i32 to vector<16xi32>
      %add3A_452 = arith.addi %add3A_451, %iota3A : vector<16xi32>
      %gt3A_453 = arith.cmpf ogt, %select_n3A_448, %select_n3A_376 : vector<16xf32>
      %select_n3A_454 = arith.select %gt3A_453, %select_n3A_448, %select_n3A_376 : vector<16xi1>, vector<16xf32>
      %select_n3A_455 = arith.select %gt3A_453, %select_n3A_376, %select_n3A_448 : vector<16xi1>, vector<16xf32>
      %select_n3A_456 = arith.select %gt3A_453, %add3A_452, %select_n3A_378 : vector<16xi1>, vector<16xi32>
      %select_n3A_457 = arith.select %gt3A_453, %select_n3A_378, %add3A_452 : vector<16xi1>, vector<16xi32>
      %gt3A_458 = arith.cmpf ogt, %select_n3A_455, %select_n3A_381 : vector<16xf32>
      %select_n3A_459 = arith.select %gt3A_458, %select_n3A_455, %select_n3A_381 : vector<16xi1>, vector<16xf32>
      %select_n3A_460 = arith.select %gt3A_458, %select_n3A_381, %select_n3A_455 : vector<16xi1>, vector<16xf32>
      %select_n3A_461 = arith.select %gt3A_458, %select_n3A_457, %select_n3A_383 : vector<16xi1>, vector<16xi32>
      %select_n3A_462 = arith.select %gt3A_458, %select_n3A_383, %select_n3A_457 : vector<16xi1>, vector<16xi32>
      %gt3A_463 = arith.cmpf ogt, %select_n3A_460, %select_n3A_386 : vector<16xf32>
      %select_n3A_464 = arith.select %gt3A_463, %select_n3A_460, %select_n3A_386 : vector<16xi1>, vector<16xf32>
      %select_n3A_465 = arith.select %gt3A_463, %select_n3A_462, %select_n3A_387 : vector<16xi1>, vector<16xi32>
      %add3A_466 = arith.constant 48 : i32
      %add3A_467 = arith.addi %mul3A_350, %add3A_466 : i32
      %get3A_468 = arith.index_cast %add3A_467 : i32 to index
      %get3A_469 = tpu.vector_load %arg8[%get3A_468] {strides = array<i32>} : memref<8192xf32, #tpu.memory_space<vmem>>, vector<16xf32>,
      %add3A_470 = arith.constant 48 : i32
      %add3A_471 = arith.addi %mul3A_350, %add3A_470 : i32
      %get3A_472 = arith.index_cast %add3A_471 : i32 to index
      %get3A_473 = tpu.vector_load %arg11[%get3A_472] {strides = array<i32>} : memref<8192xf32, #tpu.memory_space<vmem>>, vector<16xf32>,
      %sub3A_474 = arith.subf %get3A_469, %get3A_473 : vector<16xf32>
      %add3A_475 = arith.constant 48 : i32
      %add3A_476 = arith.addi %mul3A_350, %add3A_475 : i32
      %get3A_477 = arith.index_cast %add3A_476 : i32 to index
      %get3A_478 = tpu.vector_load %arg9[%get3A_477] {strides = array<i32>} : memref<8192xi32, #tpu.memory_space<vmem>>, vector<16xi32>,
      %shift_left3A_479 = arith.constant 19 : i32
      %shift_left3A_480 = vector.broadcast %shift_left3A_479 : i32 to vector<16xi32>
      %shift_left3A_481 = arith.shli %get3A_478, %shift_left3A_480 : vector<16xi32>
      %add3A_482 = arith.constant 48 : i32
      %add3A_483 = arith.addi %mul3A_350, %add3A_482 : i32
      %get3A_484 = arith.index_cast %add3A_483 : i32 to index
      %get3A_485 = tpu.vector_load %arg7[%get3A_484] {strides = array<i32>} : memref<8192xi32, #tpu.memory_space<vmem>>, vector<16xi32>,
      %ne3A_486 = arith.cmpi ne, %shift_left3A_481, %get3A_485 : vector<16xi32>
      %select_n3A_487 = arith.select %ne3A_486, %sub3A_474, %broadcast_in_dim3A_36 : vector<16xi1>, vector<16xf32>
      %add3A_488 = arith.constant 48 : i32
      %add3A_489 = arith.addi %mul3A_350, %add3A_488 : i32
      %add3A_490 = vector.broadcast %add3A_489 : i32 to vector<16xi32>
      %add3A_491 = arith.addi %add3A_490, %iota3A : vector<16xi32>
      %gt3A_492 = arith.cmpf ogt, %select_n3A_487, %select_n3A_415 : vector<16xf32>
      %select_n3A_493 = arith.select %gt3A_492, %select_n3A_487, %select_n3A_415 : vector<16xi1>, vector<16xf32>
      %select_n3A_494 = arith.select %gt3A_492, %select_n3A_415, %select_n3A_487 : vector<16xi1>, vector<16xf32>
      %select_n3A_495 = arith.select %gt3A_492, %add3A_491, %select_n3A_417 : vector<16xi1>, vector<16xi32>
      %select_n3A_496 = arith.select %gt3A_492, %select_n3A_417, %add3A_491 : vector<16xi1>, vector<16xi32>
      %gt3A_497 = arith.cmpf ogt, %select_n3A_494, %select_n3A_420 : vector<16xf32>
      %select_n3A_498 = arith.select %gt3A_497, %select_n3A_494, %select_n3A_420 : vector<16xi1>, vector<16xf32>
      %select_n3A_499 = arith.select %gt3A_497, %select_n3A_420, %select_n3A_494 : vector<16xi1>, vector<16xf32>
      %select_n3A_500 = arith.select %gt3A_497, %select_n3A_496, %select_n3A_422 : vector<16xi1>, vector<16xi32>
      %select_n3A_501 = arith.select %gt3A_497, %select_n3A_422, %select_n3A_496 : vector<16xi1>, vector<16xi32>
      %gt3A_502 = arith.cmpf ogt, %select_n3A_499, %select_n3A_425 : vector<16xf32>
      %select_n3A_503 = arith.select %gt3A_502, %select_n3A_499, %select_n3A_425 : vector<16xi1>, vector<16xf32>
      %select_n3A_504 = arith.select %gt3A_502, %select_n3A_501, %select_n3A_426 : vector<16xi1>, vector<16xi32>
      %add3A_505 = arith.constant 64 : i32
      %add3A_506 = arith.addi %mul3A_350, %add3A_505 : i32
      %get3A_507 = arith.index_cast %add3A_506 : i32 to index
      %get3A_508 = tpu.vector_load %arg8[%get3A_507] {strides = array<i32>} : memref<8192xf32, #tpu.memory_space<vmem>>, vector<16xf32>,
      %add3A_509 = arith.constant 64 : i32
      %add3A_510 = arith.addi %mul3A_350, %add3A_509 : i32
      %get3A_511 = arith.index_cast %add3A_510 : i32 to index
      %get3A_512 = tpu.vector_load %arg11[%get3A_511] {strides = array<i32>} : memref<8192xf32, #tpu.memory_space<vmem>>, vector<16xf32>,
      %sub3A_513 = arith.subf %get3A_508, %get3A_512 : vector<16xf32>
      %add3A_514 = arith.constant 64 : i32
      %add3A_515 = arith.addi %mul3A_350, %add3A_514 : i32
      %get3A_516 = arith.index_cast %add3A_515 : i32 to index
      %get3A_517 = tpu.vector_load %arg9[%get3A_516] {strides = array<i32>} : memref<8192xi32, #tpu.memory_space<vmem>>, vector<16xi32>,
      %shift_left3A_518 = arith.constant 19 : i32
      %shift_left3A_519 = vector.broadcast %shift_left3A_518 : i32 to vector<16xi32>
      %shift_left3A_520 = arith.shli %get3A_517, %shift_left3A_519 : vector<16xi32>
      %add3A_521 = arith.constant 64 : i32
      %add3A_522 = arith.addi %mul3A_350, %add3A_521 : i32
      %get3A_523 = arith.index_cast %add3A_522 : i32 to index
      %get3A_524 = tpu.vector_load %arg7[%get3A_523] {strides = array<i32>} : memref<8192xi32, #tpu.memory_space<vmem>>, vector<16xi32>,
      %ne3A_525 = arith.cmpi ne, %shift_left3A_520, %get3A_524 : vector<16xi32>
      %select_n3A_526 = arith.select %ne3A_525, %sub3A_513, %broadcast_in_dim3A_36 : vector<16xi1>, vector<16xf32>
      %add3A_527 = arith.constant 64 : i32
      %add3A_528 = arith.addi %mul3A_350, %add3A_527 : i32
      %add3A_529 = vector.broadcast %add3A_528 : i32 to vector<16xi32>
      %add3A_530 = arith.addi %add3A_529, %iota3A : vector<16xi32>
      %gt3A_531 = arith.cmpf ogt, %select_n3A_526, %select_n3A_454 : vector<16xf32>
      %select_n3A_532 = arith.select %gt3A_531, %select_n3A_526, %select_n3A_454 : vector<16xi1>, vector<16xf32>
      %select_n3A_533 = arith.select %gt3A_531, %select_n3A_454, %select_n3A_526 : vector<16xi1>, vector<16xf32>
      %select_n3A_534 = arith.select %gt3A_531, %add3A_530, %select_n3A_456 : vector<16xi1>, vector<16xi32>
      %select_n3A_535 = arith.select %gt3A_531, %select_n3A_456, %add3A_530 : vector<16xi1>, vector<16xi32>
      %gt3A_536 = arith.cmpf ogt, %select_n3A_533, %select_n3A_459 : vector<16xf32>
      %select_n3A_537 = arith.select %gt3A_536, %select_n3A_533, %select_n3A_459 : vector<16xi1>, vector<16xf32>
      %select_n3A_538 = arith.select %gt3A_536, %select_n3A_459, %select_n3A_533 : vector<16xi1>, vector<16xf32>
      %select_n3A_539 = arith.select %gt3A_536, %select_n3A_535, %select_n3A_461 : vector<16xi1>, vector<16xi32>
      %select_n3A_540 = arith.select %gt3A_536, %select_n3A_461, %select_n3A_535 : vector<16xi1>, vector<16xi32>
      %gt3A_541 = arith.cmpf ogt, %select_n3A_538, %select_n3A_464 : vector<16xf32>
      %select_n3A_542 = arith.select %gt3A_541, %select_n3A_538, %select_n3A_464 : vector<16xi1>, vector<16xf32>
      %select_n3A_543 = arith.select %gt3A_541, %select_n3A_540, %select_n3A_465 : vector<16xi1>, vector<16xi32>
      %add3A_544 = arith.constant 80 : i32
      %add3A_545 = arith.addi %mul3A_350, %add3A_544 : i32
      %get3A_546 = arith.index_cast %add3A_545 : i32 to index
      %get3A_547 = tpu.vector_load %arg8[%get3A_546] {strides = array<i32>} : memref<8192xf32, #tpu.memory_space<vmem>>, vector<16xf32>,
      %add3A_548 = arith.constant 80 : i32
      %add3A_549 = arith.addi %mul3A_350, %add3A_548 : i32
      %get3A_550 = arith.index_cast %add3A_549 : i32 to index
      %get3A_551 = tpu.vector_load %arg11[%get3A_550] {strides = array<i32>} : memref<8192xf32, #tpu.memory_space<vmem>>, vector<16xf32>,
      %sub3A_552 = arith.subf %get3A_547, %get3A_551 : vector<16xf32>
      %add3A_553 = arith.constant 80 : i32
      %add3A_554 = arith.addi %mul3A_350, %add3A_553 : i32
      %get3A_555 = arith.index_cast %add3A_554 : i32 to index
      %get3A_556 = tpu.vector_load %arg9[%get3A_555] {strides = array<i32>} : memref<8192xi32, #tpu.memory_space<vmem>>, vector<16xi32>,
      %shift_left3A_557 = arith.constant 19 : i32
      %shift_left3A_558 = vector.broadcast %shift_left3A_557 : i32 to vector<16xi32>
      %shift_left3A_559 = arith.shli %get3A_556, %shift_left3A_558 : vector<16xi32>
      %add3A_560 = arith.constant 80 : i32
      %add3A_561 = arith.addi %mul3A_350, %add3A_560 : i32
      %get3A_562 = arith.index_cast %add3A_561 : i32 to index
      %get3A_563 = tpu.vector_load %arg7[%get3A_562] {strides = array<i32>} : memref<8192xi32, #tpu.memory_space<vmem>>, vector<16xi32>,
      %ne3A_564 = arith.cmpi ne, %shift_left3A_559, %get3A_563 : vector<16xi32>
      %select_n3A_565 = arith.select %ne3A_564, %sub3A_552, %broadcast_in_dim3A_36 : vector<16xi1>, vector<16xf32>
      %add3A_566 = arith.constant 80 : i32
      %add3A_567 = arith.addi %mul3A_350, %add3A_566 : i32
      %add3A_568 = vector.broadcast %add3A_567 : i32 to vector<16xi32>
      %add3A_569 = arith.addi %add3A_568, %iota3A : vector<16xi32>
      %gt3A_570 = arith.cmpf ogt, %select_n3A_565, %select_n3A_493 : vector<16xf32>
      %select_n3A_571 = arith.select %gt3A_570, %select_n3A_565, %select_n3A_493 : vector<16xi1>, vector<16xf32>
      %select_n3A_572 = arith.select %gt3A_570, %select_n3A_493, %select_n3A_565 : vector<16xi1>, vector<16xf32>
      %select_n3A_573 = arith.select %gt3A_570, %add3A_569, %select_n3A_495 : vector<16xi1>, vector<16xi32>
      %select_n3A_574 = arith.select %gt3A_570, %select_n3A_495, %add3A_569 : vector<16xi1>, vector<16xi32>
      %gt3A_575 = arith.cmpf ogt, %select_n3A_572, %select_n3A_498 : vector<16xf32>
      %select_n3A_576 = arith.select %gt3A_575, %select_n3A_572, %select_n3A_498 : vector<16xi1>, vector<16xf32>
      %select_n3A_577 = arith.select %gt3A_575, %select_n3A_498, %select_n3A_572 : vector<16xi1>, vector<16xf32>
      %select_n3A_578 = arith.select %gt3A_575, %select_n3A_574, %select_n3A_500 : vector<16xi1>, vector<16xi32>
      %select_n3A_579 = arith.select %gt3A_575, %select_n3A_500, %select_n3A_574 : vector<16xi1>, vector<16xi32>
      %gt3A_580 = arith.cmpf ogt, %select_n3A_577, %select_n3A_503 : vector<16xf32>
      %select_n3A_581 = arith.select %gt3A_580, %select_n3A_577, %select_n3A_503 : vector<16xi1>, vector<16xf32>
      %select_n3A_582 = arith.select %gt3A_580, %select_n3A_579, %select_n3A_504 : vector<16xi1>, vector<16xi32>
      %add3A_583 = arith.constant 96 : i32
      %add3A_584 = arith.addi %mul3A_350, %add3A_583 : i32
      %get3A_585 = arith.index_cast %add3A_584 : i32 to index
      %get3A_586 = tpu.vector_load %arg8[%get3A_585] {strides = array<i32>} : memref<8192xf32, #tpu.memory_space<vmem>>, vector<16xf32>,
      %add3A_587 = arith.constant 96 : i32
      %add3A_588 = arith.addi %mul3A_350, %add3A_587 : i32
      %get3A_589 = arith.index_cast %add3A_588 : i32 to index
      %get3A_590 = tpu.vector_load %arg11[%get3A_589] {strides = array<i32>} : memref<8192xf32, #tpu.memory_space<vmem>>, vector<16xf32>,
      %sub3A_591 = arith.subf %get3A_586, %get3A_590 : vector<16xf32>
      %add3A_592 = arith.constant 96 : i32
      %add3A_593 = arith.addi %mul3A_350, %add3A_592 : i32
      %get3A_594 = arith.index_cast %add3A_593 : i32 to index
      %get3A_595 = tpu.vector_load %arg9[%get3A_594] {strides = array<i32>} : memref<8192xi32, #tpu.memory_space<vmem>>, vector<16xi32>,
      %shift_left3A_596 = arith.constant 19 : i32
      %shift_left3A_597 = vector.broadcast %shift_left3A_596 : i32 to vector<16xi32>
      %shift_left3A_598 = arith.shli %get3A_595, %shift_left3A_597 : vector<16xi32>
      %add3A_599 = arith.constant 96 : i32
      %add3A_600 = arith.addi %mul3A_350, %add3A_599 : i32
      %get3A_601 = arith.index_cast %add3A_600 : i32 to index
      %get3A_602 = tpu.vector_load %arg7[%get3A_601] {strides = array<i32>} : memref<8192xi32, #tpu.memory_space<vmem>>, vector<16xi32>,
      %ne3A_603 = arith.cmpi ne, %shift_left3A_598, %get3A_602 : vector<16xi32>
      %select_n3A_604 = arith.select %ne3A_603, %sub3A_591, %broadcast_in_dim3A_36 : vector<16xi1>, vector<16xf32>
      %add3A_605 = arith.constant 96 : i32
      %add3A_606 = arith.addi %mul3A_350, %add3A_605 : i32
      %add3A_607 = vector.broadcast %add3A_606 : i32 to vector<16xi32>
      %add3A_608 = arith.addi %add3A_607, %iota3A : vector<16xi32>
      %gt3A_609 = arith.cmpf ogt, %select_n3A_604, %select_n3A_532 : vector<16xf32>
      %select_n3A_610 = arith.select %gt3A_609, %select_n3A_604, %select_n3A_532 : vector<16xi1>, vector<16xf32>
      %select_n3A_611 = arith.select %gt3A_609, %select_n3A_532, %select_n3A_604 : vector<16xi1>, vector<16xf32>
      %select_n3A_612 = arith.select %gt3A_609, %add3A_608, %select_n3A_534 : vector<16xi1>, vector<16xi32>
      %select_n3A_613 = arith.select %gt3A_609, %select_n3A_534, %add3A_608 : vector<16xi1>, vector<16xi32>
      %gt3A_614 = arith.cmpf ogt, %select_n3A_611, %select_n3A_537 : vector<16xf32>
      %select_n3A_615 = arith.select %gt3A_614, %select_n3A_611, %select_n3A_537 : vector<16xi1>, vector<16xf32>
      %select_n3A_616 = arith.select %gt3A_614, %select_n3A_537, %select_n3A_611 : vector<16xi1>, vector<16xf32>
      %select_n3A_617 = arith.select %gt3A_614, %select_n3A_613, %select_n3A_539 : vector<16xi1>, vector<16xi32>
      %select_n3A_618 = arith.select %gt3A_614, %select_n3A_539, %select_n3A_613 : vector<16xi1>, vector<16xi32>
      %gt3A_619 = arith.cmpf ogt, %select_n3A_616, %select_n3A_542 : vector<16xf32>
      %select_n3A_620 = arith.select %gt3A_619, %select_n3A_616, %select_n3A_542 : vector<16xi1>, vector<16xf32>
      %select_n3A_621 = arith.select %gt3A_619, %select_n3A_618, %select_n3A_543 : vector<16xi1>, vector<16xi32>
      %add3A_622 = arith.constant 112 : i32
      %add3A_623 = arith.addi %mul3A_350, %add3A_622 : i32
      %get3A_624 = arith.index_cast %add3A_623 : i32 to index
      %get3A_625 = tpu.vector_load %arg8[%get3A_624] {strides = array<i32>} : memref<8192xf32, #tpu.memory_space<vmem>>, vector<16xf32>,
      %add3A_626 = arith.constant 112 : i32
      %add3A_627 = arith.addi %mul3A_350, %add3A_626 : i32
      %get3A_628 = arith.index_cast %add3A_627 : i32 to index
      %get3A_629 = tpu.vector_load %arg11[%get3A_628] {strides = array<i32>} : memref<8192xf32, #tpu.memory_space<vmem>>, vector<16xf32>,
      %sub3A_630 = arith.subf %get3A_625, %get3A_629 : vector<16xf32>
      %add3A_631 = arith.constant 112 : i32
      %add3A_632 = arith.addi %mul3A_350, %add3A_631 : i32
      %get3A_633 = arith.index_cast %add3A_632 : i32 to index
      %get3A_634 = tpu.vector_load %arg9[%get3A_633] {strides = array<i32>} : memref<8192xi32, #tpu.memory_space<vmem>>, vector<16xi32>,
      %shift_left3A_635 = arith.constant 19 : i32
      %shift_left3A_636 = vector.broadcast %shift_left3A_635 : i32 to vector<16xi32>
      %shift_left3A_637 = arith.shli %get3A_634, %shift_left3A_636 : vector<16xi32>
      %add3A_638 = arith.constant 112 : i32
      %add3A_639 = arith.addi %mul3A_350, %add3A_638 : i32
      %get3A_640 = arith.index_cast %add3A_639 : i32 to index
      %get3A_641 = tpu.vector_load %arg7[%get3A_640] {strides = array<i32>} : memref<8192xi32, #tpu.memory_space<vmem>>, vector<16xi32>,
      %ne3A_642 = arith.cmpi ne, %shift_left3A_637, %get3A_641 : vector<16xi32>
      %select_n3A_643 = arith.select %ne3A_642, %sub3A_630, %broadcast_in_dim3A_36 : vector<16xi1>, vector<16xf32>
      %add3A_644 = arith.constant 112 : i32
      %add3A_645 = arith.addi %mul3A_350, %add3A_644 : i32
      %add3A_646 = vector.broadcast %add3A_645 : i32 to vector<16xi32>
      %add3A_647 = arith.addi %add3A_646, %iota3A : vector<16xi32>
      %gt3A_648 = arith.cmpf ogt, %select_n3A_643, %select_n3A_571 : vector<16xf32>
      %select_n3A_649 = arith.select %gt3A_648, %select_n3A_643, %select_n3A_571 : vector<16xi1>, vector<16xf32>
      %select_n3A_650 = arith.select %gt3A_648, %select_n3A_571, %select_n3A_643 : vector<16xi1>, vector<16xf32>
      %select_n3A_651 = arith.select %gt3A_648, %add3A_647, %select_n3A_573 : vector<16xi1>, vector<16xi32>
      %select_n3A_652 = arith.select %gt3A_648, %select_n3A_573, %add3A_647 : vector<16xi1>, vector<16xi32>
      %gt3A_653 = arith.cmpf ogt, %select_n3A_650, %select_n3A_576 : vector<16xf32>
      %select_n3A_654 = arith.select %gt3A_653, %select_n3A_650, %select_n3A_576 : vector<16xi1>, vector<16xf32>
      %select_n3A_655 = arith.select %gt3A_653, %select_n3A_576, %select_n3A_650 : vector<16xi1>, vector<16xf32>
      %select_n3A_656 = arith.select %gt3A_653, %select_n3A_652, %select_n3A_578 : vector<16xi1>, vector<16xi32>
      %select_n3A_657 = arith.select %gt3A_653, %select_n3A_578, %select_n3A_652 : vector<16xi1>, vector<16xi32>
      %gt3A_658 = arith.cmpf ogt, %select_n3A_655, %select_n3A_581 : vector<16xf32>
      %select_n3A_659 = arith.select %gt3A_658, %select_n3A_655, %select_n3A_581 : vector<16xi1>, vector<16xf32>
      %select_n3A_660 = arith.select %gt3A_658, %select_n3A_657, %select_n3A_582 : vector<16xi1>, vector<16xi32>
      scf.yield %select_n3A_610, %select_n3A_615, %select_n3A_620, %select_n3A_612, %select_n3A_617, %select_n3A_621, %select_n3A_649, %select_n3A_654, %select_n3A_659, %select_n3A_651, %select_n3A_656, %select_n3A_660 : vector<16xf32>, vector<16xf32>, vector<16xf32>, vector<16xi32>, vector<16xi32>, vector<16xi32>, vector<16xf32>, vector<16xf32>, vector<16xf32>, vector<16xi32>, vector<16xi32>, vector<16xi32>
    }
    %scan3A_160 = arith.constant 64 : i32
    %gt3A = arith.cmpf ogt, %scan3A_159#0, %scan3A_159#8 : vector<16xf32>
    %gt3A_161 = arith.cmpf ogt, %scan3A_159#1, %scan3A_159#7 : vector<16xf32>
    %gt3A_162 = arith.cmpf ogt, %scan3A_159#2, %scan3A_159#6 : vector<16xf32>
    %select_n3A_163 = arith.select %gt3A, %scan3A_159#0, %scan3A_159#8 : vector<16xi1>, vector<16xf32>
    %select_n3A_164 = arith.select %gt3A_161, %scan3A_159#1, %scan3A_159#7 : vector<16xi1>, vector<16xf32>
    %select_n3A_165 = arith.select %gt3A_162, %scan3A_159#2, %scan3A_159#6 : vector<16xi1>, vector<16xf32>
    %select_n3A_166 = arith.select %gt3A, %scan3A_159#3, %scan3A_159#11 : vector<16xi1>, vector<16xi32>
    %select_n3A_167 = arith.select %gt3A_161, %scan3A_159#4, %scan3A_159#10 : vector<16xi1>, vector<16xi32>
    %select_n3A_168 = arith.select %gt3A_162, %scan3A_159#5, %scan3A_159#9 : vector<16xi1>, vector<16xi32>
    %masked_sort3A = arith.constant dense<true> : vector<16xi1>
    %masked_sort3A_169, %masked_sort3A_170, %masked_sort3A_171 = tpu.sort %select_n3A_163, %select_n3A_166 masked %masked_sort3A : (vector<16xf32>, vector<16xi32>, vector<16xi1>) -> (vector<16xi1>, vector<16xf32>, vector<16xi32>)
    %masked_sort3A_172 = arith.constant dense<true> : vector<16xi1>
    %masked_sort3A_173, %masked_sort3A_174, %masked_sort3A_175 = tpu.sort %select_n3A_164, %select_n3A_167 masked %masked_sort3A_172 : (vector<16xf32>, vector<16xi32>, vector<16xi1>) -> (vector<16xi1>, vector<16xf32>, vector<16xi32>)
    %masked_sort3A_176 = arith.constant dense<true> : vector<16xi1>
    %masked_sort3A_177, %masked_sort3A_178, %masked_sort3A_179 = tpu.sort %select_n3A_165, %select_n3A_168 masked %masked_sort3A_176 : (vector<16xf32>, vector<16xi32>, vector<16xi1>) -> (vector<16xi1>, vector<16xf32>, vector<16xi32>)
    %rev3A = arith.constant 15 : i32
    %rev3A_180 = vector.broadcast %rev3A : i32 to vector<16xi32>
    %rev3A_181 = tpu.iota {dimensions = array<i32: 0>} : vector<16xi32>
    %rev3A_182 = arith.subi %rev3A_180, %rev3A_181 : vector<16xi32>
    %rev3A_183 = tpu.dynamic_gather %masked_sort3A_174[%rev3A_182] in [0] : vector<16xf32>, vector<16xi32> -> vector<16xf32>
    %rev3A_184 = arith.constant 15 : i32
    %rev3A_185 = vector.broadcast %rev3A_184 : i32 to vector<16xi32>
    %rev3A_186 = tpu.iota {dimensions = array<i32: 0>} : vector<16xi32>
    %rev3A_187 = arith.subi %rev3A_185, %rev3A_186 : vector<16xi32>
    %rev3A_188 = tpu.dynamic_gather %masked_sort3A_175[%rev3A_187] in [0] : vector<16xi32>, vector<16xi32> -> vector<16xi32>
    %ge3A = arith.cmpf oge, %masked_sort3A_170, %rev3A_183 : vector<16xf32>
    %select_n3A_189 = arith.select %ge3A, %masked_sort3A_170, %rev3A_183 : vector<16xi1>, vector<16xf32>
    %select_n3A_190 = arith.select %ge3A, %masked_sort3A_171, %rev3A_188 : vector<16xi1>, vector<16xi32>
    %masked_sort3A_191 = arith.constant dense<true> : vector<16xi1>
    %masked_sort3A_192, %masked_sort3A_193, %masked_sort3A_194 = tpu.sort %select_n3A_189, %select_n3A_190 masked %masked_sort3A_191 : (vector<16xf32>, vector<16xi32>, vector<16xi1>) -> (vector<16xi1>, vector<16xf32>, vector<16xi32>)
    %rev3A_195 = arith.constant 15 : i32
    %rev3A_196 = vector.broadcast %rev3A_195 : i32 to vector<16xi32>
    %rev3A_197 = tpu.iota {dimensions = array<i32: 0>} : vector<16xi32>
    %rev3A_198 = arith.subi %rev3A_196, %rev3A_197 : vector<16xi32>
    %rev3A_199 = tpu.dynamic_gather %masked_sort3A_178[%rev3A_198] in [0] : vector<16xf32>, vector<16xi32> -> vector<16xf32>
    %rev3A_200 = arith.constant 15 : i32
    %rev3A_201 = vector.broadcast %rev3A_200 : i32 to vector<16xi32>
    %rev3A_202 = tpu.iota {dimensions = array<i32: 0>} : vector<16xi32>
    %rev3A_203 = arith.subi %rev3A_201, %rev3A_202 : vector<16xi32>
    %rev3A_204 = tpu.dynamic_gather %masked_sort3A_179[%rev3A_203] in [0] : vector<16xi32>, vector<16xi32> -> vector<16xi32>
    %ge3A_205 = arith.cmpf oge, %masked_sort3A_193, %rev3A_199 : vector<16xf32>
    %select_n3A_206 = arith.select %ge3A_205, %masked_sort3A_193, %rev3A_199 : vector<16xi1>, vector<16xf32>
    %select_n3A_207 = arith.select %ge3A_205, %masked_sort3A_194, %rev3A_204 : vector<16xi1>, vector<16xi32>
    %masked_sort3A_208 = arith.constant dense<true> : vector<16xi1>
    %masked_sort3A_209, %masked_sort3A_210, %masked_sort3A_211 = tpu.sort %select_n3A_206, %select_n3A_207 masked %masked_sort3A_208 : (vector<16xf32>, vector<16xi32>, vector<16xi1>) -> (vector<16xi1>, vector<16xf32>, vector<16xi32>)
    %ge3A_212 = arith.constant 13 : i32
    %ge3A_213 = vector.broadcast %ge3A_212 : i32 to vector<16xi32>
    %ge3A_214 = arith.cmpi sge, %iota3A, %ge3A_213 : vector<16xi32>
    %gt3A_215 = arith.constant 1.000000e-01 : f32
    %gt3A_216 = vector.broadcast %gt3A_215 : f32 to vector<16xf32>
    %gt3A_217 = arith.cmpf ogt, %masked_sort3A_210, %gt3A_216 : vector<16xf32>
    %and3A_218 = arith.andi %ge3A_214, %gt3A_217 : vector<16xi1>
    %jit3A_219 = arith.constant 0.000000e+00 : f32
    %broadcast_in_dim3A_220 = vector.broadcast %jit3A_219 : f32 to vector<16xf32>
    %select_n3A_221 = arith.select %and3A_218, %masked_sort3A_210, %broadcast_in_dim3A_220 : vector<16xi1>, vector<16xf32>
    %neg3A = arith.constant 0.000000e+00 : f32
    %neg3A_222 = vector.broadcast %neg3A : f32 to vector<16xf32>
    %neg3A_223 = arith.subf %neg3A_222, %select_n3A_221 : vector<16xf32>
    %exp3A = math.exp %neg3A_223 : vector<16xf32>
    %add3A_224 = arith.constant 1.000000e+00 : f32
    %add3A_225 = vector.broadcast %add3A_224 : f32 to vector<16xf32>
    %add3A_226 = arith.addf %add3A_225, %exp3A : vector<16xf32>
    %div3A_227 = arith.constant 1.000000e+00 : f32
    %div3A_228 = vector.broadcast %div3A_227 : f32 to vector<16xf32>
    %div3A_229 = arith.divf %div3A_228, %add3A_226 : vector<16xf32>
    tpu.vector_store_idx %arg16[%masked_sort3A_211], %div3A_229 masked %and3A_218 : memref<8192xf32, #tpu.memory_space<vmem>>[vector<16xi32>], vector<16xf32>, vector<16xi1>
    "tpu.region"() ({
      %run_scoped3A = tpu.sem_alloc : memref<!tpu.dma_semaphore, #tpu.memory_space<semaphore_mem>>
      %dma_start3A_336 = arith.constant 0 : i32
      %dma_start3A_337 = tpu.memref_slice %arg6[%mul3A_2, %dma_start3A_336] : memref<64x8192xf32, #tpu.memory_space<hbm>> -> memref<1x8192xf32, #tpu.memory_space<hbm>>
      %dma_start3A_338 = tpu.memref_squeeze %dma_start3A_337 : memref<1x8192xf32, #tpu.memory_space<hbm>> -> memref<8192xf32, #tpu.memory_space<hbm>>
      %dma_start3A_339 = arith.constant 0 : i32
      %dma_start3A_340 = tpu.memref_slice %arg6[%mul3A_2, %dma_start3A_339] : memref<64x8192xf32, #tpu.memory_space<hbm>> -> memref<1x8192xf32, #tpu.memory_space<hbm>>
      %dma_start3A_341 = tpu.memref_squeeze %dma_start3A_340 : memref<1x8192xf32, #tpu.memory_space<hbm>> -> memref<8192xf32, #tpu.memory_space<hbm>>
      tpu.enqueue_dma source(%arg16 : memref<8192xf32, #tpu.memory_space<vmem>>) target(%dma_start3A_341 : memref<8192xf32, #tpu.memory_space<hbm>>) target_semaphore(%run_scoped3A : memref<!tpu.dma_semaphore, #tpu.memory_space<semaphore_mem>>)
      %dma_wait3A_342 = arith.constant 0 : i32
      %dma_wait3A_343 = tpu.memref_slice %arg6[%mul3A_2, %dma_wait3A_342] : memref<64x8192xf32, #tpu.memory_space<hbm>> -> memref<1x8192xf32, #tpu.memory_space<hbm>>
      %dma_wait3A_344 = tpu.memref_squeeze %dma_wait3A_343 : memref<1x8192xf32, #tpu.memory_space<hbm>> -> memref<8192xf32, #tpu.memory_space<hbm>>
      %dma_wait3A_345 = arith.constant 0 : i32
      %dma_wait3A_346 = tpu.memref_slice %arg6[%mul3A_2, %dma_wait3A_345] : memref<64x8192xf32, #tpu.memory_space<hbm>> -> memref<1x8192xf32, #tpu.memory_space<hbm>>
      %dma_wait3A_347 = tpu.memref_squeeze %dma_wait3A_346 : memref<1x8192xf32, #tpu.memory_space<hbm>> -> memref<8192xf32, #tpu.memory_space<hbm>>
      tpu.wait_dma2 semaphore(%run_scoped3A : memref<!tpu.dma_semaphore, #tpu.memory_space<semaphore_mem>>) src(%arg16 : memref<8192xf32, #tpu.memory_space<vmem>>) dst(%dma_wait3A_347 : memref<8192xf32, #tpu.memory_space<hbm>>)
      tpu.yield
    }) : () -> ()
    %broadcast_in_dim3A_230 = arith.constant 0.000000e+00 : f32
    %broadcast_in_dim3A_231 = vector.broadcast %broadcast_in_dim3A_230 : f32 to vector<16xf32>
    tpu.vector_store_idx %arg16[%masked_sort3A_211], %broadcast_in_dim3A_231 masked %and3A_218 : memref<8192xf32, #tpu.memory_space<vmem>>[vector<16xi32>], vector<16xf32>, vector<16xi1>
    %scan3A_232 = arith.constant 0 : i32
    %scan3A_233 = arith.constant 0 : i32
    %scan3A_234 = arith.constant 64 : i32
    %scan3A_235 = arith.addi %scan3A_233, %scan3A_234 : i32
    %scan3A_236 = arith.constant 1 : i32
    %scan3A_237 = scf.for %scan3A_336 = %scan3A_233 to %scan3A_235 step %scan3A_236 iter_args(%scan3A_337 = %scan3A_232) -> (i32)  : i32 {
      %mul3A_338 = arith.constant 128 : i32
      %mul3A_339 = arith.muli %scan3A_336, %mul3A_338 : i32
      %mul3A_340 = arith.constant 128 : i32
      %mul3A_341 = arith.muli %scan3A_336, %mul3A_340 : i32
      %dma_wait3A_342 = tpu.memref_slice %arg15[%mul3A_341] : memref<8192xf32, #tpu.memory_space<vmem>> -> memref<128xf32, #tpu.memory_space<vmem>>
      %dma_wait3A_343 = tpu.memref_slice %arg14[%mul3A_339] : memref<8192xi32, #tpu.memory_space<vmem>> -> memref<128xi32, #tpu.memory_space<vmem>>
      %dma_wait3A_344 = arith.constant 0 : i32
      %dma_wait3A_345 = tpu.memref_slice %arg2[%dma_wait3A_344] : memref<11010048xf32, #tpu.memory_space<hbm>> -> memref<11010048xf32, #tpu.memory_space<hbm>>
      tpu.wait_indirect_dma semaphore(%arg20 : memref<!tpu.dma_semaphore, #tpu.memory_space<semaphore_mem>>) src(%dma_wait3A_345 : memref<11010048xf32, #tpu.memory_space<hbm>>) dst(%dma_wait3A_342 : memref<128xf32, #tpu.memory_space<vmem>>)
      %scan3A_346 = arith.constant 0 : i32
      scf.yield %scan3A_346 : i32
    }
    %scan3A_238 = arith.constant 64 : i32
    %dma_wait3A_239 = arith.constant 0 : i32
    %dma_wait3A_240 = tpu.memref_slice %arg3[%add3A_4, %dma_wait3A_239] : memref<64x8192xf32, #tpu.memory_space<hbm>> -> memref<1x8192xf32, #tpu.memory_space<hbm>>
    %dma_wait3A_241 = tpu.memref_squeeze %dma_wait3A_240 : memref<1x8192xf32, #tpu.memory_space<hbm>> -> memref<8192xf32, #tpu.memory_space<hbm>>
    %dma_wait3A_242 = arith.constant 0 : i32
    %dma_wait3A_243 = tpu.memref_slice %arg3[%add3A_4, %dma_wait3A_242] : memref<64x8192xf32, #tpu.memory_space<hbm>> -> memref<1x8192xf32, #tpu.memory_space<hbm>>
    %dma_wait3A_244 = tpu.memref_squeeze %dma_wait3A_243 : memref<1x8192xf32, #tpu.memory_space<hbm>> -> memref<8192xf32, #tpu.memory_space<hbm>>
    tpu.wait_dma2 semaphore(%arg18 : memref<!tpu.dma_semaphore, #tpu.memory_space<semaphore_mem>>) src(%dma_wait3A_244 : memref<8192xf32, #tpu.memory_space<hbm>>) dst(%arg12 : memref<8192xf32, #tpu.memory_space<vmem>>)
    %dma_wait3A_245 = arith.constant 0 : i32
    %dma_wait3A_246 = tpu.memref_slice %arg4[%add3A_6, %dma_wait3A_245] : memref<64x8192xi32, #tpu.memory_space<hbm>> -> memref<1x8192xi32, #tpu.memory_space<hbm>>
    %dma_wait3A_247 = tpu.memref_squeeze %dma_wait3A_246 : memref<1x8192xi32, #tpu.memory_space<hbm>> -> memref<8192xi32, #tpu.memory_space<hbm>>
    %dma_wait3A_248 = arith.constant 0 : i32
    %dma_wait3A_249 = tpu.memref_slice %arg4[%add3A_6, %dma_wait3A_248] : memref<64x8192xi32, #tpu.memory_space<hbm>> -> memref<1x8192xi32, #tpu.memory_space<hbm>>
    %dma_wait3A_250 = tpu.memref_squeeze %dma_wait3A_249 : memref<1x8192xi32, #tpu.memory_space<hbm>> -> memref<8192xi32, #tpu.memory_space<hbm>>
    tpu.wait_dma2 semaphore(%arg18 : memref<!tpu.dma_semaphore, #tpu.memory_space<semaphore_mem>>) src(%dma_wait3A_250 : memref<8192xi32, #tpu.memory_space<hbm>>) dst(%arg13 : memref<8192xi32, #tpu.memory_space<vmem>>)
    %add3A_251 = arith.constant 1 : i32
    %add3A_252 = arith.addi %mul3A_2, %add3A_251 : i32
    %scan3A_253 = arith.constant 0 : i32
    %scan3A_254 = arith.constant 64 : i32
    %scan3A_255 = arith.addi %scan3A_253, %scan3A_254 : i32
    %scan3A_256 = arith.constant 1 : i32
    %scan3A_257:12 = scf.for %scan3A_336 = %scan3A_253 to %scan3A_255 step %scan3A_256 iter_args(%scan3A_337 = %broadcast_in_dim3A_36, %scan3A_338 = %broadcast_in_dim3A_36, %scan3A_339 = %broadcast_in_dim3A_36, %scan3A_340 = %broadcast_in_dim3A_38, %scan3A_341 = %broadcast_in_dim3A_38, %scan3A_342 = %broadcast_in_dim3A_38, %scan3A_343 = %broadcast_in_dim3A_36, %scan3A_344 = %broadcast_in_dim3A_36, %scan3A_345 = %broadcast_in_dim3A_36, %scan3A_346 = %broadcast_in_dim3A_38, %scan3A_347 = %broadcast_in_dim3A_38, %scan3A_348 = %broadcast_in_dim3A_38) -> (vector<16xf32>, vector<16xf32>, vector<16xf32>, vector<16xi32>, vector<16xi32>, vector<16xi32>, vector<16xf32>, vector<16xf32>, vector<16xf32>, vector<16xi32>, vector<16xi32>, vector<16xi32>)  : i32 {
      %mul3A_349 = arith.constant 128 : i32
      %mul3A_350 = arith.muli %scan3A_336, %mul3A_349 : i32
      %add3A_351 = arith.constant 0 : i32
      %add3A_352 = arith.addi %mul3A_350, %add3A_351 : i32
      %get3A = arith.index_cast %add3A_352 : i32 to index
      %get3A_353 = tpu.vector_load %arg12[%get3A] {strides = array<i32>} : memref<8192xf32, #tpu.memory_space<vmem>>, vector<16xf32>,
      %add3A_354 = arith.constant 0 : i32
      %add3A_355 = arith.addi %mul3A_350, %add3A_354 : i32
      %get3A_356 = arith.index_cast %add3A_355 : i32 to index
      %get3A_357 = tpu.vector_load %arg15[%get3A_356] {strides = array<i32>} : memref<8192xf32, #tpu.memory_space<vmem>>, vector<16xf32>,
      %sub3A_358 = arith.subf %get3A_353, %get3A_357 : vector<16xf32>
      %add3A_359 = arith.constant 0 : i32
      %add3A_360 = arith.addi %mul3A_350, %add3A_359 : i32
      %get3A_361 = arith.index_cast %add3A_360 : i32 to index
      %get3A_362 = tpu.vector_load %arg13[%get3A_361] {strides = array<i32>} : memref<8192xi32, #tpu.memory_space<vmem>>, vector<16xi32>,
      %shift_left3A = arith.constant 19 : i32
      %shift_left3A_363 = vector.broadcast %shift_left3A : i32 to vector<16xi32>
      %shift_left3A_364 = arith.shli %get3A_362, %shift_left3A_363 : vector<16xi32>
      %add3A_365 = arith.constant 0 : i32
      %add3A_366 = arith.addi %mul3A_350, %add3A_365 : i32
      %get3A_367 = arith.index_cast %add3A_366 : i32 to index
      %get3A_368 = tpu.vector_load %arg7[%get3A_367] {strides = array<i32>} : memref<8192xi32, #tpu.memory_space<vmem>>, vector<16xi32>,
      %ne3A_369 = arith.cmpi ne, %shift_left3A_364, %get3A_368 : vector<16xi32>
      %select_n3A_370 = arith.select %ne3A_369, %sub3A_358, %broadcast_in_dim3A_36 : vector<16xi1>, vector<16xf32>
      %add3A_371 = arith.constant 0 : i32
      %add3A_372 = arith.addi %mul3A_350, %add3A_371 : i32
      %add3A_373 = vector.broadcast %add3A_372 : i32 to vector<16xi32>
      %add3A_374 = arith.addi %add3A_373, %iota3A : vector<16xi32>
      %gt3A_375 = arith.cmpf ogt, %select_n3A_370, %scan3A_337 : vector<16xf32>
      %select_n3A_376 = arith.select %gt3A_375, %select_n3A_370, %scan3A_337 : vector<16xi1>, vector<16xf32>
      %select_n3A_377 = arith.select %gt3A_375, %scan3A_337, %select_n3A_370 : vector<16xi1>, vector<16xf32>
      %select_n3A_378 = arith.select %gt3A_375, %add3A_374, %scan3A_340 : vector<16xi1>, vector<16xi32>
      %select_n3A_379 = arith.select %gt3A_375, %scan3A_340, %add3A_374 : vector<16xi1>, vector<16xi32>
      %gt3A_380 = arith.cmpf ogt, %select_n3A_377, %scan3A_338 : vector<16xf32>
      %select_n3A_381 = arith.select %gt3A_380, %select_n3A_377, %scan3A_338 : vector<16xi1>, vector<16xf32>
      %select_n3A_382 = arith.select %gt3A_380, %scan3A_338, %select_n3A_377 : vector<16xi1>, vector<16xf32>
      %select_n3A_383 = arith.select %gt3A_380, %select_n3A_379, %scan3A_341 : vector<16xi1>, vector<16xi32>
      %select_n3A_384 = arith.select %gt3A_380, %scan3A_341, %select_n3A_379 : vector<16xi1>, vector<16xi32>
      %gt3A_385 = arith.cmpf ogt, %select_n3A_382, %scan3A_339 : vector<16xf32>
      %select_n3A_386 = arith.select %gt3A_385, %select_n3A_382, %scan3A_339 : vector<16xi1>, vector<16xf32>
      %select_n3A_387 = arith.select %gt3A_385, %select_n3A_384, %scan3A_342 : vector<16xi1>, vector<16xi32>
      %add3A_388 = arith.constant 16 : i32
      %add3A_389 = arith.addi %mul3A_350, %add3A_388 : i32
      %get3A_390 = arith.index_cast %add3A_389 : i32 to index
      %get3A_391 = tpu.vector_load %arg12[%get3A_390] {strides = array<i32>} : memref<8192xf32, #tpu.memory_space<vmem>>, vector<16xf32>,
      %add3A_392 = arith.constant 16 : i32
      %add3A_393 = arith.addi %mul3A_350, %add3A_392 : i32
      %get3A_394 = arith.index_cast %add3A_393 : i32 to index
      %get3A_395 = tpu.vector_load %arg15[%get3A_394] {strides = array<i32>} : memref<8192xf32, #tpu.memory_space<vmem>>, vector<16xf32>,
      %sub3A_396 = arith.subf %get3A_391, %get3A_395 : vector<16xf32>
      %add3A_397 = arith.constant 16 : i32
      %add3A_398 = arith.addi %mul3A_350, %add3A_397 : i32
      %get3A_399 = arith.index_cast %add3A_398 : i32 to index
      %get3A_400 = tpu.vector_load %arg13[%get3A_399] {strides = array<i32>} : memref<8192xi32, #tpu.memory_space<vmem>>, vector<16xi32>,
      %shift_left3A_401 = arith.constant 19 : i32
      %shift_left3A_402 = vector.broadcast %shift_left3A_401 : i32 to vector<16xi32>
      %shift_left3A_403 = arith.shli %get3A_400, %shift_left3A_402 : vector<16xi32>
      %add3A_404 = arith.constant 16 : i32
      %add3A_405 = arith.addi %mul3A_350, %add3A_404 : i32
      %get3A_406 = arith.index_cast %add3A_405 : i32 to index
      %get3A_407 = tpu.vector_load %arg7[%get3A_406] {strides = array<i32>} : memref<8192xi32, #tpu.memory_space<vmem>>, vector<16xi32>,
      %ne3A_408 = arith.cmpi ne, %shift_left3A_403, %get3A_407 : vector<16xi32>
      %select_n3A_409 = arith.select %ne3A_408, %sub3A_396, %broadcast_in_dim3A_36 : vector<16xi1>, vector<16xf32>
      %add3A_410 = arith.constant 16 : i32
      %add3A_411 = arith.addi %mul3A_350, %add3A_410 : i32
      %add3A_412 = vector.broadcast %add3A_411 : i32 to vector<16xi32>
      %add3A_413 = arith.addi %add3A_412, %iota3A : vector<16xi32>
      %gt3A_414 = arith.cmpf ogt, %select_n3A_409, %scan3A_343 : vector<16xf32>
      %select_n3A_415 = arith.select %gt3A_414, %select_n3A_409, %scan3A_343 : vector<16xi1>, vector<16xf32>
      %select_n3A_416 = arith.select %gt3A_414, %scan3A_343, %select_n3A_409 : vector<16xi1>, vector<16xf32>
      %select_n3A_417 = arith.select %gt3A_414, %add3A_413, %scan3A_346 : vector<16xi1>, vector<16xi32>
      %select_n3A_418 = arith.select %gt3A_414, %scan3A_346, %add3A_413 : vector<16xi1>, vector<16xi32>
      %gt3A_419 = arith.cmpf ogt, %select_n3A_416, %scan3A_344 : vector<16xf32>
      %select_n3A_420 = arith.select %gt3A_419, %select_n3A_416, %scan3A_344 : vector<16xi1>, vector<16xf32>
      %select_n3A_421 = arith.select %gt3A_419, %scan3A_344, %select_n3A_416 : vector<16xi1>, vector<16xf32>
      %select_n3A_422 = arith.select %gt3A_419, %select_n3A_418, %scan3A_347 : vector<16xi1>, vector<16xi32>
      %select_n3A_423 = arith.select %gt3A_419, %scan3A_347, %select_n3A_418 : vector<16xi1>, vector<16xi32>
      %gt3A_424 = arith.cmpf ogt, %select_n3A_421, %scan3A_345 : vector<16xf32>
      %select_n3A_425 = arith.select %gt3A_424, %select_n3A_421, %scan3A_345 : vector<16xi1>, vector<16xf32>
      %select_n3A_426 = arith.select %gt3A_424, %select_n3A_423, %scan3A_348 : vector<16xi1>, vector<16xi32>
      %add3A_427 = arith.constant 32 : i32
      %add3A_428 = arith.addi %mul3A_350, %add3A_427 : i32
      %get3A_429 = arith.index_cast %add3A_428 : i32 to index
      %get3A_430 = tpu.vector_load %arg12[%get3A_429] {strides = array<i32>} : memref<8192xf32, #tpu.memory_space<vmem>>, vector<16xf32>,
      %add3A_431 = arith.constant 32 : i32
      %add3A_432 = arith.addi %mul3A_350, %add3A_431 : i32
      %get3A_433 = arith.index_cast %add3A_432 : i32 to index
      %get3A_434 = tpu.vector_load %arg15[%get3A_433] {strides = array<i32>} : memref<8192xf32, #tpu.memory_space<vmem>>, vector<16xf32>,
      %sub3A_435 = arith.subf %get3A_430, %get3A_434 : vector<16xf32>
      %add3A_436 = arith.constant 32 : i32
      %add3A_437 = arith.addi %mul3A_350, %add3A_436 : i32
      %get3A_438 = arith.index_cast %add3A_437 : i32 to index
      %get3A_439 = tpu.vector_load %arg13[%get3A_438] {strides = array<i32>} : memref<8192xi32, #tpu.memory_space<vmem>>, vector<16xi32>,
      %shift_left3A_440 = arith.constant 19 : i32
      %shift_left3A_441 = vector.broadcast %shift_left3A_440 : i32 to vector<16xi32>
      %shift_left3A_442 = arith.shli %get3A_439, %shift_left3A_441 : vector<16xi32>
      %add3A_443 = arith.constant 32 : i32
      %add3A_444 = arith.addi %mul3A_350, %add3A_443 : i32
      %get3A_445 = arith.index_cast %add3A_444 : i32 to index
      %get3A_446 = tpu.vector_load %arg7[%get3A_445] {strides = array<i32>} : memref<8192xi32, #tpu.memory_space<vmem>>, vector<16xi32>,
      %ne3A_447 = arith.cmpi ne, %shift_left3A_442, %get3A_446 : vector<16xi32>
      %select_n3A_448 = arith.select %ne3A_447, %sub3A_435, %broadcast_in_dim3A_36 : vector<16xi1>, vector<16xf32>
      %add3A_449 = arith.constant 32 : i32
      %add3A_450 = arith.addi %mul3A_350, %add3A_449 : i32
      %add3A_451 = vector.broadcast %add3A_450 : i32 to vector<16xi32>
      %add3A_452 = arith.addi %add3A_451, %iota3A : vector<16xi32>
      %gt3A_453 = arith.cmpf ogt, %select_n3A_448, %select_n3A_376 : vector<16xf32>
      %select_n3A_454 = arith.select %gt3A_453, %select_n3A_448, %select_n3A_376 : vector<16xi1>, vector<16xf32>
      %select_n3A_455 = arith.select %gt3A_453, %select_n3A_376, %select_n3A_448 : vector<16xi1>, vector<16xf32>
      %select_n3A_456 = arith.select %gt3A_453, %add3A_452, %select_n3A_378 : vector<16xi1>, vector<16xi32>
      %select_n3A_457 = arith.select %gt3A_453, %select_n3A_378, %add3A_452 : vector<16xi1>, vector<16xi32>
      %gt3A_458 = arith.cmpf ogt, %select_n3A_455, %select_n3A_381 : vector<16xf32>
      %select_n3A_459 = arith.select %gt3A_458, %select_n3A_455, %select_n3A_381 : vector<16xi1>, vector<16xf32>
      %select_n3A_460 = arith.select %gt3A_458, %select_n3A_381, %select_n3A_455 : vector<16xi1>, vector<16xf32>
      %select_n3A_461 = arith.select %gt3A_458, %select_n3A_457, %select_n3A_383 : vector<16xi1>, vector<16xi32>
      %select_n3A_462 = arith.select %gt3A_458, %select_n3A_383, %select_n3A_457 : vector<16xi1>, vector<16xi32>
      %gt3A_463 = arith.cmpf ogt, %select_n3A_460, %select_n3A_386 : vector<16xf32>
      %select_n3A_464 = arith.select %gt3A_463, %select_n3A_460, %select_n3A_386 : vector<16xi1>, vector<16xf32>
      %select_n3A_465 = arith.select %gt3A_463, %select_n3A_462, %select_n3A_387 : vector<16xi1>, vector<16xi32>
      %add3A_466 = arith.constant 48 : i32
      %add3A_467 = arith.addi %mul3A_350, %add3A_466 : i32
      %get3A_468 = arith.index_cast %add3A_467 : i32 to index
      %get3A_469 = tpu.vector_load %arg12[%get3A_468] {strides = array<i32>} : memref<8192xf32, #tpu.memory_space<vmem>>, vector<16xf32>,
      %add3A_470 = arith.constant 48 : i32
      %add3A_471 = arith.addi %mul3A_350, %add3A_470 : i32
      %get3A_472 = arith.index_cast %add3A_471 : i32 to index
      %get3A_473 = tpu.vector_load %arg15[%get3A_472] {strides = array<i32>} : memref<8192xf32, #tpu.memory_space<vmem>>, vector<16xf32>,
      %sub3A_474 = arith.subf %get3A_469, %get3A_473 : vector<16xf32>
      %add3A_475 = arith.constant 48 : i32
      %add3A_476 = arith.addi %mul3A_350, %add3A_475 : i32
      %get3A_477 = arith.index_cast %add3A_476 : i32 to index
      %get3A_478 = tpu.vector_load %arg13[%get3A_477] {strides = array<i32>} : memref<8192xi32, #tpu.memory_space<vmem>>, vector<16xi32>,
      %shift_left3A_479 = arith.constant 19 : i32
      %shift_left3A_480 = vector.broadcast %shift_left3A_479 : i32 to vector<16xi32>
      %shift_left3A_481 = arith.shli %get3A_478, %shift_left3A_480 : vector<16xi32>
      %add3A_482 = arith.constant 48 : i32
      %add3A_483 = arith.addi %mul3A_350, %add3A_482 : i32
      %get3A_484 = arith.index_cast %add3A_483 : i32 to index
      %get3A_485 = tpu.vector_load %arg7[%get3A_484] {strides = array<i32>} : memref<8192xi32, #tpu.memory_space<vmem>>, vector<16xi32>,
      %ne3A_486 = arith.cmpi ne, %shift_left3A_481, %get3A_485 : vector<16xi32>
      %select_n3A_487 = arith.select %ne3A_486, %sub3A_474, %broadcast_in_dim3A_36 : vector<16xi1>, vector<16xf32>
      %add3A_488 = arith.constant 48 : i32
      %add3A_489 = arith.addi %mul3A_350, %add3A_488 : i32
      %add3A_490 = vector.broadcast %add3A_489 : i32 to vector<16xi32>
      %add3A_491 = arith.addi %add3A_490, %iota3A : vector<16xi32>
      %gt3A_492 = arith.cmpf ogt, %select_n3A_487, %select_n3A_415 : vector<16xf32>
      %select_n3A_493 = arith.select %gt3A_492, %select_n3A_487, %select_n3A_415 : vector<16xi1>, vector<16xf32>
      %select_n3A_494 = arith.select %gt3A_492, %select_n3A_415, %select_n3A_487 : vector<16xi1>, vector<16xf32>
      %select_n3A_495 = arith.select %gt3A_492, %add3A_491, %select_n3A_417 : vector<16xi1>, vector<16xi32>
      %select_n3A_496 = arith.select %gt3A_492, %select_n3A_417, %add3A_491 : vector<16xi1>, vector<16xi32>
      %gt3A_497 = arith.cmpf ogt, %select_n3A_494, %select_n3A_420 : vector<16xf32>
      %select_n3A_498 = arith.select %gt3A_497, %select_n3A_494, %select_n3A_420 : vector<16xi1>, vector<16xf32>
      %select_n3A_499 = arith.select %gt3A_497, %select_n3A_420, %select_n3A_494 : vector<16xi1>, vector<16xf32>
      %select_n3A_500 = arith.select %gt3A_497, %select_n3A_496, %select_n3A_422 : vector<16xi1>, vector<16xi32>
      %select_n3A_501 = arith.select %gt3A_497, %select_n3A_422, %select_n3A_496 : vector<16xi1>, vector<16xi32>
      %gt3A_502 = arith.cmpf ogt, %select_n3A_499, %select_n3A_425 : vector<16xf32>
      %select_n3A_503 = arith.select %gt3A_502, %select_n3A_499, %select_n3A_425 : vector<16xi1>, vector<16xf32>
      %select_n3A_504 = arith.select %gt3A_502, %select_n3A_501, %select_n3A_426 : vector<16xi1>, vector<16xi32>
      %add3A_505 = arith.constant 64 : i32
      %add3A_506 = arith.addi %mul3A_350, %add3A_505 : i32
      %get3A_507 = arith.index_cast %add3A_506 : i32 to index
      %get3A_508 = tpu.vector_load %arg12[%get3A_507] {strides = array<i32>} : memref<8192xf32, #tpu.memory_space<vmem>>, vector<16xf32>,
      %add3A_509 = arith.constant 64 : i32
      %add3A_510 = arith.addi %mul3A_350, %add3A_509 : i32
      %get3A_511 = arith.index_cast %add3A_510 : i32 to index
      %get3A_512 = tpu.vector_load %arg15[%get3A_511] {strides = array<i32>} : memref<8192xf32, #tpu.memory_space<vmem>>, vector<16xf32>,
      %sub3A_513 = arith.subf %get3A_508, %get3A_512 : vector<16xf32>
      %add3A_514 = arith.constant 64 : i32
      %add3A_515 = arith.addi %mul3A_350, %add3A_514 : i32
      %get3A_516 = arith.index_cast %add3A_515 : i32 to index
      %get3A_517 = tpu.vector_load %arg13[%get3A_516] {strides = array<i32>} : memref<8192xi32, #tpu.memory_space<vmem>>, vector<16xi32>,
      %shift_left3A_518 = arith.constant 19 : i32
      %shift_left3A_519 = vector.broadcast %shift_left3A_518 : i32 to vector<16xi32>
      %shift_left3A_520 = arith.shli %get3A_517, %shift_left3A_519 : vector<16xi32>
      %add3A_521 = arith.constant 64 : i32
      %add3A_522 = arith.addi %mul3A_350, %add3A_521 : i32
      %get3A_523 = arith.index_cast %add3A_522 : i32 to index
      %get3A_524 = tpu.vector_load %arg7[%get3A_523] {strides = array<i32>} : memref<8192xi32, #tpu.memory_space<vmem>>, vector<16xi32>,
      %ne3A_525 = arith.cmpi ne, %shift_left3A_520, %get3A_524 : vector<16xi32>
      %select_n3A_526 = arith.select %ne3A_525, %sub3A_513, %broadcast_in_dim3A_36 : vector<16xi1>, vector<16xf32>
      %add3A_527 = arith.constant 64 : i32
      %add3A_528 = arith.addi %mul3A_350, %add3A_527 : i32
      %add3A_529 = vector.broadcast %add3A_528 : i32 to vector<16xi32>
      %add3A_530 = arith.addi %add3A_529, %iota3A : vector<16xi32>
      %gt3A_531 = arith.cmpf ogt, %select_n3A_526, %select_n3A_454 : vector<16xf32>
      %select_n3A_532 = arith.select %gt3A_531, %select_n3A_526, %select_n3A_454 : vector<16xi1>, vector<16xf32>
      %select_n3A_533 = arith.select %gt3A_531, %select_n3A_454, %select_n3A_526 : vector<16xi1>, vector<16xf32>
      %select_n3A_534 = arith.select %gt3A_531, %add3A_530, %select_n3A_456 : vector<16xi1>, vector<16xi32>
      %select_n3A_535 = arith.select %gt3A_531, %select_n3A_456, %add3A_530 : vector<16xi1>, vector<16xi32>
      %gt3A_536 = arith.cmpf ogt, %select_n3A_533, %select_n3A_459 : vector<16xf32>
      %select_n3A_537 = arith.select %gt3A_536, %select_n3A_533, %select_n3A_459 : vector<16xi1>, vector<16xf32>
      %select_n3A_538 = arith.select %gt3A_536, %select_n3A_459, %select_n3A_533 : vector<16xi1>, vector<16xf32>
      %select_n3A_539 = arith.select %gt3A_536, %select_n3A_535, %select_n3A_461 : vector<16xi1>, vector<16xi32>
      %select_n3A_540 = arith.select %gt3A_536, %select_n3A_461, %select_n3A_535 : vector<16xi1>, vector<16xi32>
      %gt3A_541 = arith.cmpf ogt, %select_n3A_538, %select_n3A_464 : vector<16xf32>
      %select_n3A_542 = arith.select %gt3A_541, %select_n3A_538, %select_n3A_464 : vector<16xi1>, vector<16xf32>
      %select_n3A_543 = arith.select %gt3A_541, %select_n3A_540, %select_n3A_465 : vector<16xi1>, vector<16xi32>
      %add3A_544 = arith.constant 80 : i32
      %add3A_545 = arith.addi %mul3A_350, %add3A_544 : i32
      %get3A_546 = arith.index_cast %add3A_545 : i32 to index
      %get3A_547 = tpu.vector_load %arg12[%get3A_546] {strides = array<i32>} : memref<8192xf32, #tpu.memory_space<vmem>>, vector<16xf32>,
      %add3A_548 = arith.constant 80 : i32
      %add3A_549 = arith.addi %mul3A_350, %add3A_548 : i32
      %get3A_550 = arith.index_cast %add3A_549 : i32 to index
      %get3A_551 = tpu.vector_load %arg15[%get3A_550] {strides = array<i32>} : memref<8192xf32, #tpu.memory_space<vmem>>, vector<16xf32>,
      %sub3A_552 = arith.subf %get3A_547, %get3A_551 : vector<16xf32>
      %add3A_553 = arith.constant 80 : i32
      %add3A_554 = arith.addi %mul3A_350, %add3A_553 : i32
      %get3A_555 = arith.index_cast %add3A_554 : i32 to index
      %get3A_556 = tpu.vector_load %arg13[%get3A_555] {strides = array<i32>} : memref<8192xi32, #tpu.memory_space<vmem>>, vector<16xi32>,
      %shift_left3A_557 = arith.constant 19 : i32
      %shift_left3A_558 = vector.broadcast %shift_left3A_557 : i32 to vector<16xi32>
      %shift_left3A_559 = arith.shli %get3A_556, %shift_left3A_558 : vector<16xi32>
      %add3A_560 = arith.constant 80 : i32
      %add3A_561 = arith.addi %mul3A_350, %add3A_560 : i32
      %get3A_562 = arith.index_cast %add3A_561 : i32 to index
      %get3A_563 = tpu.vector_load %arg7[%get3A_562] {strides = array<i32>} : memref<8192xi32, #tpu.memory_space<vmem>>, vector<16xi32>,
      %ne3A_564 = arith.cmpi ne, %shift_left3A_559, %get3A_563 : vector<16xi32>
      %select_n3A_565 = arith.select %ne3A_564, %sub3A_552, %broadcast_in_dim3A_36 : vector<16xi1>, vector<16xf32>
      %add3A_566 = arith.constant 80 : i32
      %add3A_567 = arith.addi %mul3A_350, %add3A_566 : i32
      %add3A_568 = vector.broadcast %add3A_567 : i32 to vector<16xi32>
      %add3A_569 = arith.addi %add3A_568, %iota3A : vector<16xi32>
      %gt3A_570 = arith.cmpf ogt, %select_n3A_565, %select_n3A_493 : vector<16xf32>
      %select_n3A_571 = arith.select %gt3A_570, %select_n3A_565, %select_n3A_493 : vector<16xi1>, vector<16xf32>
      %select_n3A_572 = arith.select %gt3A_570, %select_n3A_493, %select_n3A_565 : vector<16xi1>, vector<16xf32>
      %select_n3A_573 = arith.select %gt3A_570, %add3A_569, %select_n3A_495 : vector<16xi1>, vector<16xi32>
      %select_n3A_574 = arith.select %gt3A_570, %select_n3A_495, %add3A_569 : vector<16xi1>, vector<16xi32>
      %gt3A_575 = arith.cmpf ogt, %select_n3A_572, %select_n3A_498 : vector<16xf32>
      %select_n3A_576 = arith.select %gt3A_575, %select_n3A_572, %select_n3A_498 : vector<16xi1>, vector<16xf32>
      %select_n3A_577 = arith.select %gt3A_575, %select_n3A_498, %select_n3A_572 : vector<16xi1>, vector<16xf32>
      %select_n3A_578 = arith.select %gt3A_575, %select_n3A_574, %select_n3A_500 : vector<16xi1>, vector<16xi32>
      %select_n3A_579 = arith.select %gt3A_575, %select_n3A_500, %select_n3A_574 : vector<16xi1>, vector<16xi32>
      %gt3A_580 = arith.cmpf ogt, %select_n3A_577, %select_n3A_503 : vector<16xf32>
      %select_n3A_581 = arith.select %gt3A_580, %select_n3A_577, %select_n3A_503 : vector<16xi1>, vector<16xf32>
      %select_n3A_582 = arith.select %gt3A_580, %select_n3A_579, %select_n3A_504 : vector<16xi1>, vector<16xi32>
      %add3A_583 = arith.constant 96 : i32
      %add3A_584 = arith.addi %mul3A_350, %add3A_583 : i32
      %get3A_585 = arith.index_cast %add3A_584 : i32 to index
      %get3A_586 = tpu.vector_load %arg12[%get3A_585] {strides = array<i32>} : memref<8192xf32, #tpu.memory_space<vmem>>, vector<16xf32>,
      %add3A_587 = arith.constant 96 : i32
      %add3A_588 = arith.addi %mul3A_350, %add3A_587 : i32
      %get3A_589 = arith.index_cast %add3A_588 : i32 to index
      %get3A_590 = tpu.vector_load %arg15[%get3A_589] {strides = array<i32>} : memref<8192xf32, #tpu.memory_space<vmem>>, vector<16xf32>,
      %sub3A_591 = arith.subf %get3A_586, %get3A_590 : vector<16xf32>
      %add3A_592 = arith.constant 96 : i32
      %add3A_593 = arith.addi %mul3A_350, %add3A_592 : i32
      %get3A_594 = arith.index_cast %add3A_593 : i32 to index
      %get3A_595 = tpu.vector_load %arg13[%get3A_594] {strides = array<i32>} : memref<8192xi32, #tpu.memory_space<vmem>>, vector<16xi32>,
      %shift_left3A_596 = arith.constant 19 : i32
      %shift_left3A_597 = vector.broadcast %shift_left3A_596 : i32 to vector<16xi32>
      %shift_left3A_598 = arith.shli %get3A_595, %shift_left3A_597 : vector<16xi32>
      %add3A_599 = arith.constant 96 : i32
      %add3A_600 = arith.addi %mul3A_350, %add3A_599 : i32
      %get3A_601 = arith.index_cast %add3A_600 : i32 to index
      %get3A_602 = tpu.vector_load %arg7[%get3A_601] {strides = array<i32>} : memref<8192xi32, #tpu.memory_space<vmem>>, vector<16xi32>,
      %ne3A_603 = arith.cmpi ne, %shift_left3A_598, %get3A_602 : vector<16xi32>
      %select_n3A_604 = arith.select %ne3A_603, %sub3A_591, %broadcast_in_dim3A_36 : vector<16xi1>, vector<16xf32>
      %add3A_605 = arith.constant 96 : i32
      %add3A_606 = arith.addi %mul3A_350, %add3A_605 : i32
      %add3A_607 = vector.broadcast %add3A_606 : i32 to vector<16xi32>
      %add3A_608 = arith.addi %add3A_607, %iota3A : vector<16xi32>
      %gt3A_609 = arith.cmpf ogt, %select_n3A_604, %select_n3A_532 : vector<16xf32>
      %select_n3A_610 = arith.select %gt3A_609, %select_n3A_604, %select_n3A_532 : vector<16xi1>, vector<16xf32>
      %select_n3A_611 = arith.select %gt3A_609, %select_n3A_532, %select_n3A_604 : vector<16xi1>, vector<16xf32>
      %select_n3A_612 = arith.select %gt3A_609, %add3A_608, %select_n3A_534 : vector<16xi1>, vector<16xi32>
      %select_n3A_613 = arith.select %gt3A_609, %select_n3A_534, %add3A_608 : vector<16xi1>, vector<16xi32>
      %gt3A_614 = arith.cmpf ogt, %select_n3A_611, %select_n3A_537 : vector<16xf32>
      %select_n3A_615 = arith.select %gt3A_614, %select_n3A_611, %select_n3A_537 : vector<16xi1>, vector<16xf32>
      %select_n3A_616 = arith.select %gt3A_614, %select_n3A_537, %select_n3A_611 : vector<16xi1>, vector<16xf32>
      %select_n3A_617 = arith.select %gt3A_614, %select_n3A_613, %select_n3A_539 : vector<16xi1>, vector<16xi32>
      %select_n3A_618 = arith.select %gt3A_614, %select_n3A_539, %select_n3A_613 : vector<16xi1>, vector<16xi32>
      %gt3A_619 = arith.cmpf ogt, %select_n3A_616, %select_n3A_542 : vector<16xf32>
      %select_n3A_620 = arith.select %gt3A_619, %select_n3A_616, %select_n3A_542 : vector<16xi1>, vector<16xf32>
      %select_n3A_621 = arith.select %gt3A_619, %select_n3A_618, %select_n3A_543 : vector<16xi1>, vector<16xi32>
      %add3A_622 = arith.constant 112 : i32
      %add3A_623 = arith.addi %mul3A_350, %add3A_622 : i32
      %get3A_624 = arith.index_cast %add3A_623 : i32 to index
      %get3A_625 = tpu.vector_load %arg12[%get3A_624] {strides = array<i32>} : memref<8192xf32, #tpu.memory_space<vmem>>, vector<16xf32>,
      %add3A_626 = arith.constant 112 : i32
      %add3A_627 = arith.addi %mul3A_350, %add3A_626 : i32
      %get3A_628 = arith.index_cast %add3A_627 : i32 to index
      %get3A_629 = tpu.vector_load %arg15[%get3A_628] {strides = array<i32>} : memref<8192xf32, #tpu.memory_space<vmem>>, vector<16xf32>,
      %sub3A_630 = arith.subf %get3A_625, %get3A_629 : vector<16xf32>
      %add3A_631 = arith.constant 112 : i32
      %add3A_632 = arith.addi %mul3A_350, %add3A_631 : i32
      %get3A_633 = arith.index_cast %add3A_632 : i32 to index
      %get3A_634 = tpu.vector_load %arg13[%get3A_633] {strides = array<i32>} : memref<8192xi32, #tpu.memory_space<vmem>>, vector<16xi32>,
      %shift_left3A_635 = arith.constant 19 : i32
      %shift_left3A_636 = vector.broadcast %shift_left3A_635 : i32 to vector<16xi32>
      %shift_left3A_637 = arith.shli %get3A_634, %shift_left3A_636 : vector<16xi32>
      %add3A_638 = arith.constant 112 : i32
      %add3A_639 = arith.addi %mul3A_350, %add3A_638 : i32
      %get3A_640 = arith.index_cast %add3A_639 : i32 to index
      %get3A_641 = tpu.vector_load %arg7[%get3A_640] {strides = array<i32>} : memref<8192xi32, #tpu.memory_space<vmem>>, vector<16xi32>,
      %ne3A_642 = arith.cmpi ne, %shift_left3A_637, %get3A_641 : vector<16xi32>
      %select_n3A_643 = arith.select %ne3A_642, %sub3A_630, %broadcast_in_dim3A_36 : vector<16xi1>, vector<16xf32>
      %add3A_644 = arith.constant 112 : i32
      %add3A_645 = arith.addi %mul3A_350, %add3A_644 : i32
      %add3A_646 = vector.broadcast %add3A_645 : i32 to vector<16xi32>
      %add3A_647 = arith.addi %add3A_646, %iota3A : vector<16xi32>
      %gt3A_648 = arith.cmpf ogt, %select_n3A_643, %select_n3A_571 : vector<16xf32>
      %select_n3A_649 = arith.select %gt3A_648, %select_n3A_643, %select_n3A_571 : vector<16xi1>, vector<16xf32>
      %select_n3A_650 = arith.select %gt3A_648, %select_n3A_571, %select_n3A_643 : vector<16xi1>, vector<16xf32>
      %select_n3A_651 = arith.select %gt3A_648, %add3A_647, %select_n3A_573 : vector<16xi1>, vector<16xi32>
      %select_n3A_652 = arith.select %gt3A_648, %select_n3A_573, %add3A_647 : vector<16xi1>, vector<16xi32>
      %gt3A_653 = arith.cmpf ogt, %select_n3A_650, %select_n3A_576 : vector<16xf32>
      %select_n3A_654 = arith.select %gt3A_653, %select_n3A_650, %select_n3A_576 : vector<16xi1>, vector<16xf32>
      %select_n3A_655 = arith.select %gt3A_653, %select_n3A_576, %select_n3A_650 : vector<16xi1>, vector<16xf32>
      %select_n3A_656 = arith.select %gt3A_653, %select_n3A_652, %select_n3A_578 : vector<16xi1>, vector<16xi32>
      %select_n3A_657 = arith.select %gt3A_653, %select_n3A_578, %select_n3A_652 : vector<16xi1>, vector<16xi32>
      %gt3A_658 = arith.cmpf ogt, %select_n3A_655, %select_n3A_581 : vector<16xf32>
      %select_n3A_659 = arith.select %gt3A_658, %select_n3A_655, %select_n3A_581 : vector<16xi1>, vector<16xf32>
      %select_n3A_660 = arith.select %gt3A_658, %select_n3A_657, %select_n3A_582 : vector<16xi1>, vector<16xi32>
      scf.yield %select_n3A_610, %select_n3A_615, %select_n3A_620, %select_n3A_612, %select_n3A_617, %select_n3A_621, %select_n3A_649, %select_n3A_654, %select_n3A_659, %select_n3A_651, %select_n3A_656, %select_n3A_660 : vector<16xf32>, vector<16xf32>, vector<16xf32>, vector<16xi32>, vector<16xi32>, vector<16xi32>, vector<16xf32>, vector<16xf32>, vector<16xf32>, vector<16xi32>, vector<16xi32>, vector<16xi32>
    }
    %scan3A_258 = arith.constant 64 : i32
    %gt3A_259 = arith.cmpf ogt, %scan3A_257#0, %scan3A_257#8 : vector<16xf32>
    %gt3A_260 = arith.cmpf ogt, %scan3A_257#1, %scan3A_257#7 : vector<16xf32>
    %gt3A_261 = arith.cmpf ogt, %scan3A_257#2, %scan3A_257#6 : vector<16xf32>
    %select_n3A_262 = arith.select %gt3A_259, %scan3A_257#0, %scan3A_257#8 : vector<16xi1>, vector<16xf32>
    %select_n3A_263 = arith.select %gt3A_260, %scan3A_257#1, %scan3A_257#7 : vector<16xi1>, vector<16xf32>
    %select_n3A_264 = arith.select %gt3A_261, %scan3A_257#2, %scan3A_257#6 : vector<16xi1>, vector<16xf32>
    %select_n3A_265 = arith.select %gt3A_259, %scan3A_257#3, %scan3A_257#11 : vector<16xi1>, vector<16xi32>
    %select_n3A_266 = arith.select %gt3A_260, %scan3A_257#4, %scan3A_257#10 : vector<16xi1>, vector<16xi32>
    %select_n3A_267 = arith.select %gt3A_261, %scan3A_257#5, %scan3A_257#9 : vector<16xi1>, vector<16xi32>
    %masked_sort3A_268 = arith.constant dense<true> : vector<16xi1>
    %masked_sort3A_269, %masked_sort3A_270, %masked_sort3A_271 = tpu.sort %select_n3A_262, %select_n3A_265 masked %masked_sort3A_268 : (vector<16xf32>, vector<16xi32>, vector<16xi1>) -> (vector<16xi1>, vector<16xf32>, vector<16xi32>)
    %masked_sort3A_272 = arith.constant dense<true> : vector<16xi1>
    %masked_sort3A_273, %masked_sort3A_274, %masked_sort3A_275 = tpu.sort %select_n3A_263, %select_n3A_266 masked %masked_sort3A_272 : (vector<16xf32>, vector<16xi32>, vector<16xi1>) -> (vector<16xi1>, vector<16xf32>, vector<16xi32>)
    %masked_sort3A_276 = arith.constant dense<true> : vector<16xi1>
    %masked_sort3A_277, %masked_sort3A_278, %masked_sort3A_279 = tpu.sort %select_n3A_264, %select_n3A_267 masked %masked_sort3A_276 : (vector<16xf32>, vector<16xi32>, vector<16xi1>) -> (vector<16xi1>, vector<16xf32>, vector<16xi32>)
    %rev3A_280 = arith.constant 15 : i32
    %rev3A_281 = vector.broadcast %rev3A_280 : i32 to vector<16xi32>
    %rev3A_282 = tpu.iota {dimensions = array<i32: 0>} : vector<16xi32>
    %rev3A_283 = arith.subi %rev3A_281, %rev3A_282 : vector<16xi32>
    %rev3A_284 = tpu.dynamic_gather %masked_sort3A_274[%rev3A_283] in [0] : vector<16xf32>, vector<16xi32> -> vector<16xf32>
    %rev3A_285 = arith.constant 15 : i32
    %rev3A_286 = vector.broadcast %rev3A_285 : i32 to vector<16xi32>
    %rev3A_287 = tpu.iota {dimensions = array<i32: 0>} : vector<16xi32>
    %rev3A_288 = arith.subi %rev3A_286, %rev3A_287 : vector<16xi32>
    %rev3A_289 = tpu.dynamic_gather %masked_sort3A_275[%rev3A_288] in [0] : vector<16xi32>, vector<16xi32> -> vector<16xi32>
    %ge3A_290 = arith.cmpf oge, %masked_sort3A_270, %rev3A_284 : vector<16xf32>
    %select_n3A_291 = arith.select %ge3A_290, %masked_sort3A_270, %rev3A_284 : vector<16xi1>, vector<16xf32>
    %select_n3A_292 = arith.select %ge3A_290, %masked_sort3A_271, %rev3A_289 : vector<16xi1>, vector<16xi32>
    %masked_sort3A_293 = arith.constant dense<true> : vector<16xi1>
    %masked_sort3A_294, %masked_sort3A_295, %masked_sort3A_296 = tpu.sort %select_n3A_291, %select_n3A_292 masked %masked_sort3A_293 : (vector<16xf32>, vector<16xi32>, vector<16xi1>) -> (vector<16xi1>, vector<16xf32>, vector<16xi32>)
    %rev3A_297 = arith.constant 15 : i32
    %rev3A_298 = vector.broadcast %rev3A_297 : i32 to vector<16xi32>
    %rev3A_299 = tpu.iota {dimensions = array<i32: 0>} : vector<16xi32>
    %rev3A_300 = arith.subi %rev3A_298, %rev3A_299 : vector<16xi32>
    %rev3A_301 = tpu.dynamic_gather %masked_sort3A_278[%rev3A_300] in [0] : vector<16xf32>, vector<16xi32> -> vector<16xf32>
    %rev3A_302 = arith.constant 15 : i32
    %rev3A_303 = vector.broadcast %rev3A_302 : i32 to vector<16xi32>
    %rev3A_304 = tpu.iota {dimensions = array<i32: 0>} : vector<16xi32>
    %rev3A_305 = arith.subi %rev3A_303, %rev3A_304 : vector<16xi32>
    %rev3A_306 = tpu.dynamic_gather %masked_sort3A_279[%rev3A_305] in [0] : vector<16xi32>, vector<16xi32> -> vector<16xi32>
    %ge3A_307 = arith.cmpf oge, %masked_sort3A_295, %rev3A_301 : vector<16xf32>
    %select_n3A_308 = arith.select %ge3A_307, %masked_sort3A_295, %rev3A_301 : vector<16xi1>, vector<16xf32>
    %select_n3A_309 = arith.select %ge3A_307, %masked_sort3A_296, %rev3A_306 : vector<16xi1>, vector<16xi32>
    %masked_sort3A_310 = arith.constant dense<true> : vector<16xi1>
    %masked_sort3A_311, %masked_sort3A_312, %masked_sort3A_313 = tpu.sort %select_n3A_308, %select_n3A_309 masked %masked_sort3A_310 : (vector<16xf32>, vector<16xi32>, vector<16xi1>) -> (vector<16xi1>, vector<16xf32>, vector<16xi32>)
    %ge3A_314 = arith.constant 13 : i32
    %ge3A_315 = vector.broadcast %ge3A_314 : i32 to vector<16xi32>
    %ge3A_316 = arith.cmpi sge, %iota3A, %ge3A_315 : vector<16xi32>
    %gt3A_317 = arith.constant 1.000000e-01 : f32
    %gt3A_318 = vector.broadcast %gt3A_317 : f32 to vector<16xf32>
    %gt3A_319 = arith.cmpf ogt, %masked_sort3A_312, %gt3A_318 : vector<16xf32>
    %and3A_320 = arith.andi %ge3A_316, %gt3A_319 : vector<16xi1>
    %jit3A_321 = arith.constant 0.000000e+00 : f32
    %broadcast_in_dim3A_322 = vector.broadcast %jit3A_321 : f32 to vector<16xf32>
    %select_n3A_323 = arith.select %and3A_320, %masked_sort3A_312, %broadcast_in_dim3A_322 : vector<16xi1>, vector<16xf32>
    %neg3A_324 = arith.constant 0.000000e+00 : f32
    %neg3A_325 = vector.broadcast %neg3A_324 : f32 to vector<16xf32>
    %neg3A_326 = arith.subf %neg3A_325, %select_n3A_323 : vector<16xf32>
    %exp3A_327 = math.exp %neg3A_326 : vector<16xf32>
    %add3A_328 = arith.constant 1.000000e+00 : f32
    %add3A_329 = vector.broadcast %add3A_328 : f32 to vector<16xf32>
    %add3A_330 = arith.addf %add3A_329, %exp3A_327 : vector<16xf32>
    %div3A_331 = arith.constant 1.000000e+00 : f32
    %div3A_332 = vector.broadcast %div3A_331 : f32 to vector<16xf32>
    %div3A_333 = arith.divf %div3A_332, %add3A_330 : vector<16xf32>
    tpu.vector_store_idx %arg16[%masked_sort3A_313], %div3A_333 masked %and3A_320 : memref<8192xf32, #tpu.memory_space<vmem>>[vector<16xi32>], vector<16xf32>, vector<16xi1>
    "tpu.region"() ({
      %run_scoped3A = tpu.sem_alloc : memref<!tpu.dma_semaphore, #tpu.memory_space<semaphore_mem>>
      %dma_start3A_336 = arith.constant 0 : i32
      %dma_start3A_337 = tpu.memref_slice %arg6[%add3A_252, %dma_start3A_336] : memref<64x8192xf32, #tpu.memory_space<hbm>> -> memref<1x8192xf32, #tpu.memory_space<hbm>>
      %dma_start3A_338 = tpu.memref_squeeze %dma_start3A_337 : memref<1x8192xf32, #tpu.memory_space<hbm>> -> memref<8192xf32, #tpu.memory_space<hbm>>
      %dma_start3A_339 = arith.constant 0 : i32
      %dma_start3A_340 = tpu.memref_slice %arg6[%add3A_252, %dma_start3A_339] : memref<64x8192xf32, #tpu.memory_space<hbm>> -> memref<1x8192xf32, #tpu.memory_space<hbm>>
      %dma_start3A_341 = tpu.memref_squeeze %dma_start3A_340 : memref<1x8192xf32, #tpu.memory_space<hbm>> -> memref<8192xf32, #tpu.memory_space<hbm>>
      tpu.enqueue_dma source(%arg16 : memref<8192xf32, #tpu.memory_space<vmem>>) target(%dma_start3A_341 : memref<8192xf32, #tpu.memory_space<hbm>>) target_semaphore(%run_scoped3A : memref<!tpu.dma_semaphore, #tpu.memory_space<semaphore_mem>>)
      %dma_wait3A_342 = arith.constant 0 : i32
      %dma_wait3A_343 = tpu.memref_slice %arg6[%add3A_252, %dma_wait3A_342] : memref<64x8192xf32, #tpu.memory_space<hbm>> -> memref<1x8192xf32, #tpu.memory_space<hbm>>
      %dma_wait3A_344 = tpu.memref_squeeze %dma_wait3A_343 : memref<1x8192xf32, #tpu.memory_space<hbm>> -> memref<8192xf32, #tpu.memory_space<hbm>>
      %dma_wait3A_345 = arith.constant 0 : i32
      %dma_wait3A_346 = tpu.memref_slice %arg6[%add3A_252, %dma_wait3A_345] : memref<64x8192xf32, #tpu.memory_space<hbm>> -> memref<1x8192xf32, #tpu.memory_space<hbm>>
      %dma_wait3A_347 = tpu.memref_squeeze %dma_wait3A_346 : memref<1x8192xf32, #tpu.memory_space<hbm>> -> memref<8192xf32, #tpu.memory_space<hbm>>
      tpu.wait_dma2 semaphore(%run_scoped3A : memref<!tpu.dma_semaphore, #tpu.memory_space<semaphore_mem>>) src(%arg16 : memref<8192xf32, #tpu.memory_space<vmem>>) dst(%dma_wait3A_347 : memref<8192xf32, #tpu.memory_space<hbm>>)
      tpu.yield
    }) : () -> ()
    %broadcast_in_dim3A_334 = arith.constant 0.000000e+00 : f32
    %broadcast_in_dim3A_335 = vector.broadcast %broadcast_in_dim3A_334 : f32 to vector<16xf32>
    tpu.vector_store_idx %arg16[%masked_sort3A_313], %broadcast_in_dim3A_335 masked %and3A_320 : memref<8192xf32, #tpu.memory_space<vmem>>[vector<16xi32>], vector<16xf32>, vector<16xi1>
    return
  }
}

</mosaic_0001>

<sc_bundles>
// kernel: _revor_sc.3.cloned.1.call-start
scs
__scs_entry_jumppad:
0x0: {  	(pc) =	sbr.rel $0x88, $3  }
0x1: {  	(tag) =	ssettag $0x0;
	lr =	simm.s32 $0x1  }
0x2: {  	[smem:$0x3F9D] =	sst lr;
	_ =	strace $0xD0000000  }
0x3: {  	_ = 	snop  }
0x4: {  	_ = 	snop  }
0x5: {  	_ = 	snop  }
0x6: {  	_ = 	snop  }
0x7: {  	_ = 	snop  }
__scs_overlays_trampoline_lowered:
0x8: {  	[smem:$0x3FAC] =	sst s0  }
0x9: {  	[smem:$0x3FAD] =	sst s1  }
0xa: {  	[smem:$0x3FAE] =	sst s2  }
0xb: {  	[smem:$0x3FAF] =	sst s3  }
0xc: {  	[smem:$0x3FB0] =	sst s4  }
0xd: {  	[smem:$0x3FB1] =	sst s5  }
0xe: {  	[smem:$0x3FB2] =	sst s6  }
0xf: {  	[smem:$0x3FB3] =	sst s7  }
0x10: {  	[smem:$0x3FB4] =	sst s8  }
0x11: {  	[smem:$0x3FB5] =	sst s9;
	s0 =	simm.s32 @!p0 $0x0  }
0x12: {  	s1 =	sld [smem:$0x3F9B];
	s0 =	simm.s32 @p0 $0x1  }
0x13: {  	[smem:$0x3FB6] =	sst s0;
	s0 =	simm.s32 @!p1 $0x0  }
0x14: {  	s2 =	sld [smem:$0x3F9A];
	s0 =	simm.s32 @p1 $0x1  }
0x15: {  	[smem:$0x3FB7] =	sst s0;
	s0 =	simm.s32 @!p2 $0x0  }
0x16: {  	s3 =	sld [smem:$0x3FDB];
	s0 =	simm.s32 @p2 $0x1  }
0x17: {  	s4 =	simm.s32 $0x1BF5;
	[smem:$0x3FB9] =	sst s0  }
0x18: {  	s0 =	sld [smem:$0x3F9C];
	_ =	swait.ge [sflag:s4], $0x0  }
0x19: {  	s7 =	sld [smem:$0x3F9D]  }
0x1a: {  	s8 =	sadd.s32 $0xFFFFE003, lr  }
0x1b: {  	s9 =	sadd.s32 $0xFFFFFEF7, lr;
	s5 =	simm.s32 $0xFFFFFFFF;
	p2 =	slt.u32 s8, $0xFFFFF086  }
0x1c: {  	p1 =	slt.u32 s9, $0xF7A;
	s5 =	simm.s32 @!p2 $0x0  }
0x1d: {  	s5 =	simm.s32 @p1 $0x1;
	p0 =	seq.s32 s7, s2  }
0x1e: {  	s7 =	smul.u32 @!p0 $0xF7A, s2;
	p2 =	seq.s32 @!p0 s5, $0x0  }
0x1f: {  	s9 =	smul.u32 $0xF7A, s1;
	s8 =	simm.s32 @!p0 $0x1BF5;
	p2 =	por !p2, p0  }
0x20: {  	[sflag:s8] =	ssyncset.s32 @!p0 $0xFFFFF086;
	s6 =	sadd.s32 @!p0 s3, s7;
	s7 =	simm.s32 @!p0 $0x108  }
0x21: {  	s3 =	sadd.s32 s3, s9;
	s6 =	sadd.s32 @!p0 $0x88, s6;
	s7 =	simm.s32 @p2 $0x1082  }
0x22: {  	[simem:s7], [sflag:s8] =	dma.local @!p0 [hbm:s6], $0xF7A  }
0x23: {  	s9 =	sor.u32 $0xD0000000, s2;
	s6 =	simm.s32 $0x108;
	_ =	swait.ge @!p0 [sflag:s8], $0x0  }
0x24: {  	s3 =	sadd.s32 $0x88, s3;
	s6 =	simm.s32 @!p1 $0x1082;
	[sflag:s4] =	ssyncset.s32 $0xFFFFF086  }
0x25: {  	[simem:s6], [sflag:s4] =	dma.local [hbm:s3], $0xF7A  }
0x26: {  	[smem:$0x3F9D] =	sst s1;
	(tag) =	ssettag s2;
	_ =	strace s9  }
0x27: {  	s1 =	sld [smem:$0x3FAD]  }
0x28: {  	s2 =	sld [smem:$0x3FAE]  }
0x29: {  	s4 =	sld [smem:$0x3FB0]  }
0x2a: {  	p0 =	seq.s32 s5, $0x0;
	s5 =	sld [smem:$0x3FB1]  }
0x2b: {  	s6 =	sld [smem:$0x3FB2]  }
0x2c: {  	s7 =	sld [smem:$0x3FB3]  }
0x2d: {  	s3 =	simm.s32 $0x108;
	s8 =	sld [smem:$0x3FB4]  }
0x2e: {  	s3 =	simm.s32 @!p0 $0x1082;
	s9 =	sld [smem:$0x3FB5]  }
0x2f: {  	lr =	sadd.s32 s0, s3;
	s0 =	sld [smem:$0x3FAC]  }
0x30: {  	s3 =	sld [smem:$0x3FAF]  }
0x31: {  	[smem:$0x3FB8] =	sst s10  }
0x32: {  	s10 =	sld [smem:$0x3FB6];
	_ =	sdelay $0x3  }
0x33: {  	p0 =	seq.s32 s10, $0x1;
	s10 =	sld [smem:$0x3FB8];
	_ =	sdelay $0x3  }
0x34: {  	[smem:$0x3FB8] =	sst s10  }
0x35: {  	s10 =	sld [smem:$0x3FB7];
	_ =	sdelay $0x3  }
0x36: {  	p1 =	seq.s32 s10, $0x1;
	s10 =	sld [smem:$0x3FB8];
	_ =	sdelay $0x3  }
0x37: {  	[smem:$0x3FB8] =	sst s10  }
0x38: {  	s10 =	sld [smem:$0x3FB9]  }
0x39: {  	_ = 	snop;
	(pc) =	sbr.ind lr, $3  }
0x3a: {  	_ = 	snop  }
0x3b: {  	_ = 	snop  }
0x3c: {  	p2 =	seq.s32 s10, $0x1;
	s10 =	sld [smem:$0x3FB8]  }
0x3d: {  	_ =	shalt  }
0x3e: {  	_ =	shalt  }
0x3f: {  	_ =	shalt  }
0x40: {  	_ =	shalt  }
0x41: {  	_ =	shalt  }
0x42: {  	_ =	shalt  }
0x43: {  	_ =	shalt  }
0x44: {  	_ =	shalt  }
0x45: {  	_ =	shalt  }
0x46: {  	_ =	shalt  }
0x47: {  	_ =	shalt  }
0x48: {  	_ =	shalt  }
0x49: {  	_ =	shalt  }
0x4a: {  	_ =	shalt  }
0x4b: {  	_ =	shalt  }
0x4c: {  	_ =	shalt  }
0x4d: {  	_ =	shalt  }
0x4e: {  	_ =	shalt  }
0x4f: {  	_ =	shalt  }
0x50: {  	_ =	shalt  }
0x51: {  	_ =	shalt  }
0x52: {  	_ =	shalt  }
0x53: {  	_ =	shalt  }
0x54: {  	_ =	shalt  }
0x55: {  	_ =	shalt  }
0x56: {  	_ =	shalt  }
0x57: {  	_ =	shalt  }
0x58: {  	_ =	shalt  }
0x59: {  	_ =	shalt  }
0x5a: {  	_ =	shalt  }
0x5b: {  	_ =	shalt  }
0x5c: {  	_ =	shalt  }
0x5d: {  	_ =	shalt  }
0x5e: {  	_ =	shalt  }
0x5f: {  	_ =	shalt  }
0x60: {  	_ =	shalt  }
0x61: {  	_ =	shalt  }
0x62: {  	_ =	shalt  }
0x63: {  	_ =	shalt  }
0x64: {  	_ =	shalt  }
0x65: {  	_ =	shalt  }
0x66: {  	_ =	shalt  }
0x67: {  	_ =	shalt  }
0x68: {  	_ =	shalt  }
0x69: {  	_ =	shalt  }
0x6a: {  	_ =	shalt  }
0x6b: {  	_ =	shalt  }
0x6c: {  	_ =	shalt  }
0x6d: {  	_ =	shalt  }
0x6e: {  	_ =	shalt  }
0x6f: {  	_ =	shalt  }
0x70: {  	_ =	shalt  }
0x71: {  	_ =	shalt  }
0x72: {  	_ =	shalt  }
0x73: {  	_ =	shalt  }
0x74: {  	_ =	shalt  }
0x75: {  	_ =	shalt  }
0x76: {  	_ =	shalt  }
0x77: {  	_ =	shalt  }
0x78: {  	_ =	shalt  }
0x79: {  	_ =	shalt  }
0x7a: {  	_ =	shalt  }
0x7b: {  	_ =	shalt  }
0x7c: {  	_ =	shalt  }
0x7d: {  	_ =	shalt  }
0x7e: {  	_ =	shalt  }
0x7f: {  	_ =	shalt  }
0x80: {  	_ =	shalt  }
0x81: {  	_ =	shalt  }
0x82: {  	_ =	shalt  }
0x83: {  	_ =	shalt  }
0x84: {  	_ =	shalt  }
0x85: {  	_ =	shalt  }
0x86: {  	_ =	shalt  }
0x87: {  	_ =	shalt  }
.Lfunc_end0:
.L_simem_size_0:
called_computation_lowered:
.L_overlay_start_0:
0x88: {  	s2 =	sld [smem:$0x3FD9]  }
0x89: {  	s3 =	sld [smem:$0x3FFE];
	_ =	sdelay $0x1  }
0x8a: {  	s1 =	srdreg.scid  }
0x8b: {  	s0 =	sand.u32 $0x1, s1  }
0x8c: {  	s18 =	sshll.u32 s0, $0xA;
	s2 =	sadd.s32 s3, s2  }
0x8d: {  	s2 =	sadd.s32 s2, s18  }
0x8e: {  	[smem:$0x3FC4] =	sst s2  }
0x8f: {  	_ = 	snop  }
0x90: {  	s2 =	sld [smem:$0x3FC9]  }
0x91: {  	s19 =	sld [smem:$0x3FC8]  }
0x92: {  	s4 =	sld [smem:$0x3FC7]  }
0x93: {  	s5 =	sld [smem:$0x3FC6]  }
0x94: {  	s6 =	sld [smem:$0x3FD0];
	(tm) =	ssettm $0x1  }
0x95: {  	s7 =	sld [smem:$0x3FFB];
	_ =	sdelay $0x3  }
0x96: {  	_ =	strace s7  }
0x97: {  	s7 =	sld [smem:$0x3FFC];
	_ =	sdelay $0x3  }
0x98: {  	_ =	strace s7  }
0x99: {  	s7 =	sld [smem:$0x3FFD];
	_ =	sdelay $0x3  }
0x9a: {  	_ =	strace s7  }
0x9b: {  	_ =	strace $0x8FFFFFFF  }
0x9c: {  	s20 =	sld [smem:$0x3FDB];
	_ =	sdelay $0x1  }
0x9d: {  	s8 =	simm.s32 $_scs_section_size  }
0x9e: {  	s9 =	simm.s32 $_size__tile_overlayer_lowered;
	s10 =	simm.s32 $_tile_overlayer_lowered  }
0x9f: {  	s23 =	simm.s32 $0x1BFF;
	s22 =	sshll.u32 s10, $0x1;
	s7 =	sadd.s32 s8, s20  }
0xa0: {  	s11 =	simm.s32 $0x0;
	s21 =	sshll.u32 s9, $0x1;
	s9 =	sadd.s32 s22, s7  }
0xa1: {  	[timem:s11], [sflag:s23] =	dma.local [hbm:s9], s21  }
0xa2: {  	_ =	swait.ge [sflag:s23], s21  }
0xa3: {  	s8 =	ssub.s32 $0x0, s21;
	[sflag:s23] =	ssyncset.done $0x0  }
0xa4: {  	[sflag:s23] =	ssyncadd.s32 s8;
	_ =	sdelay $0x1  }
0xa5: {  	s24 =	simm.s32 $0x1B8B  }
0xa6: {  	_ =	swait.ge [sflag:s24], $0x1  }
0xa7: {  	[sflag:s24] =	ssyncset.done $0x0  }
0xa8: {  	s25 =	simm.s32 $0x1B8E;
	[sflag:s24] =	ssyncadd.s32 $0xFFFFFFFF  }
0xa9: {  	s26 =	simm.s32 $execute0_lowered;
	[smem:$0x3FD2] =	sst s25  }
0xaa: {  	s8 =	sshll.u32 s26, $0x1;
	_ =	strace $0x80000046;
	[dreg:$0x1] =	wrdreg $0xFFFFFFFF  }
0xab: {  	s28 =	simm.s32 $_size_execute0_lowered;
	s7 =	sadd.s32 s7, s8;
	[dreg:$0x0] =	wrdreg $0x0  }
0xac: {  	s8 =	sshll.u32 s28, $0x1;
	[dreg:$0x2] =	wrdreg s7  }
0xad: {  	[dreg:$0x3] =	wrdreg s8  }
0xae: {  	[dreg:$0x4] =	wrdreg $0xC0  }
0xaf: {  	_ =	task [dreg:s11], $0x5FFFF  }
0xb0: {  	[dreg:$0x1] =	wrdreg $0xFFFFFFFF  }
0xb1: {  	[dreg:$0x0] =	wrdreg $0x60  }
0xb2: {  	[dreg:$0x2] =	wrdreg s2  }
0xb3: {  	[dreg:$0x3] =	wrdreg s19  }
0xb4: {  	[dreg:$0x4] =	wrdreg s4  }
0xb5: {  	[dreg:$0x5] =	wrdreg s5  }
0xb6: {  	[dreg:$0x6] =	wrdreg s6  }
0xb7: {  	[dreg:$0x7] =	wrdreg $0x9  }
0xb8: {  	_ =	task.clear_ibuf [dreg:s11], $0x8FFFF;
	_ =	strace $0x90000046  }
0xb9: {  	s29 =	simm.s32 $0x9;
	_ =	strace $0x80000048  }
0xba: {  	_ =	swait.ge [sflag:s29], $0x1  }
0xbb: {  	[sflag:s29] =	ssyncadd.s32 $0xFFFFFFFF  }
0xbc: {  	_ =	strace $0x90000048  }
0xbd: {  	_ =	sfence  }
0xbe: {  	s30 =	sld [smem:$0x0];
	_ =	sdelay $0x2  }
0xbf: {  	s31 =	sshll.u32 s1, $0xD;
	s1 =	sshrl.u32 s1, $0x2  }
0xc0: {  	s3 =	sand.u32 $0x4000, s31;
	s1 =	sadd.s32 s1, s30  }
0xc1: {  	s0 =	sor.u32 s3, s0;
	s1 =	sshll.u32 s1, $0x11  }
0xc2: {  	s0 =	sor.u32 s1, s0  }
0xc3: {  	s0 =	sadd.s32 $0x8F2B, s0  }
0xc4: {  	[sflag:s0] =	ssyncadd.remote.s32 $0x1  }
0xc5: {  	_ =	sfence.sel $0xFFFF  }
0xc6: {  	[dreg:$0x0] =	wrdreg $0xFFFFFFFF;
	(pc) =	sbr.abs _section_cstart, $3  }
0xc7: {  	[dreg:$0x1] =	wrdreg $0xFFFFFFFF  }
0xc8: {  	_ =	task.clear_ibuf [dreg:s11], $0x2FFFF;
	_ =	strace $0x9FFFFFFF  }
0xc9: {  	(tm) =	ssettm $0x7FFFFFFF  }
tec
execute0_lowered:
.L_overlay_start_1:
0x0: {  	(tag) =	ssettag $0x1  }
0x1: {  	s1 =	rddreg [dreg:$0x0]  }
0x2: {  	s0 =	rddreg [dreg:$0x1]  }
0x3: {  	s8 =	rddreg [dreg:$0x2]  }
0x4: {  	s2 =	rddreg [dreg:$0x3]  }
0x5: {  	s10 =	rddreg [dreg:$0x4]  }
0x6: {  	s4 =	simm.s32 $0x0;
	s5 =	srdreg.scid;
	s3 =	stileid.u32  }
0x7: {  	s13 =	simm.s32 $0x400;
	s14 =	simm.s32 $0x2000;
	s15 =	simm.s32 $0x4000  }
0x8: {  	s16 =	simm.s32 $0xA000;
	s17 =	simm.s32 $0xC000;
	s18 =	simm.s32 $0x5  }
0x9: {  	s20 =	simm.s32 $0x1;
	s21 =	simm.s32 $0x12000;
	s23 =	simm.s32 $0x2  }
0xa: {  	s24 =	simm.s32 $0x0;
	s5 =	sand.u32 $0x1, s5;
	s6 =	sshll.u32 s3, $0x9  }
0xb: {  	s9 =	sshll.u32 s3, $0xF;
	s7 =	sshll.u32 s5, $0x8;
	s6 =	sand.u32 $0x200, s6  }
0xc: {  	s5 =	ssub.s32 $0x2, s5;
	s9 =	sand.u32 $0x70000, s9;
	s6 =	sor.u32 s7, s6  }
0xd: {  	[smem:$0x7FF] =	sst s4;
	s31 =	sshrl.u32 s5, $0x1;
	s19 =	sor.u32 s9, s6  }
0xe: {  	v0 =	vlaneseq.u32;
	_ =	strace $0x80000047;
	s11 =	ssub.s32 s5, s31;
	s9 =	sshrl.u32 s19, $0x3  }
0xf: {  	s22 =	sor.u32 $0x80, s19;
	s11 =	smax.u32 s11, $0x1;
	v1 =	vor.u32 s19, v0;
	s19 =	simm.s32 $0x3  }
0x10: {  	s5 =	sadd.s32 s0, s9;
	s6 =	sadd.s32 s8, s9;
	s12 =	sshrl.u32 s22, $0x3  }
0x11: {  	s9 =	sadd.s32 s10, s9;
	v2 =	vor.u32 s22, v0;
	s22 =	simm.s32 $0x4;
	s7 =	sadd.s32 s0, s12  }
0x12: {  	v3 =	vimm.f32 $0.0e+00;
	vm0 =	vcmask $0x3F34;
	s8 =	sadd.s32 s8, s12;
	s10 =	sadd.s32 s10, s12;
	s12 =	simm.s32 $0x80  }
.LBB2_1:
0x13: {  	[tilespmem:s14], [sflag:$0x1] =	stream.strided.gather [hbm4b:s5+s12], $0x2000, s13, s12, $0x38;
	[tilespmem:$0x14000] =	vst v63  }
0x14: {  	_ = 	snop  }
0x15: {  	[tilespmem:s15], [sflag:$0x1] =	stream.strided.gather [hbm4b:s6+s12], $0x2000, s13, s12, $0x38;
	[tilespmem:$0x14000] =	vst v63  }
0x16: {  	_ = 	snop  }
0x17: {  	[tilespmem:s16], [sflag:$0x2] =	stream.strided.gather [hbm4b:s7+s12], $0x2000, s13, s12, $0x38;
	[tilespmem:$0x14000] =	vst v63  }
0x18: {  	_ = 	snop  }
0x19: {  	[tilespmem:s17], [sflag:$0x2] =	stream.strided.gather [hbm4b:s8+s12], $0x2000, s13, s12, $0x38;
	[tilespmem:$0x14000] =	vst v63  }
0x1a: {  	_ = 	snop  }
0x1b: {  	[tilespmem:s4], [sflag:$0x5] =	stream.linear.gather [hbm4b:s2+s4], $0x2000, $0x38;
	[tilespmem:$0x14000] =	vst v63  }
0x1c: {  	_ =	swait.ge [sflag:s18], $0x2000  }
0x1d: {  	[sflag:s18] =	ssyncset.done $0x0  }
0x1e: {  	s0 =	simm.s32 $0x0;
	s25 =	simm.s32 $0x40;
	[sflag:s18] =	ssyncadd.s32 $0xFFFFE000  }
.LBB2_2:
0x1f: {  	p0 =	sne.s32 s25, $0x7FC0;
	[tilespmem:s0+$0x12000] =	vst v3;
	v4 =	vld [tilespmem:s0+$0x0];
	_ =	sdelay $0x1  }
.Ltmp0:
0x20: {  	(pc) =	sbr.rel @p0 .LBB2_2-.Ltmp0, $3  }
0x21: {  	_ =	sdelay $0x1  }
0x22: {  	v4 =	vshll.u32 v4, $0x13  }
0x23: {  	[tilespmem:s0+$0x0] =	vst v4;
	s0 =	sshra.s32 s25, $0x2;
	s25 =	sadd.s32 $0x40, s25  }
0x24: {  	v4 =	vld [tilespmem:s0+$0x0];
	_ =	sdelay $0x4  }
0x25: {  	[tilespmem:s0+$0x12000] =	vst v3;
	v4 =	vshll.u32 v4, $0x13  }
0x26: {  	s25 =	simm.s32 $0x0;
	[tilespmem:s0+$0x0] =	vst v4  }
0x27: {  	v4 =	vld [tilespmem:s25+$0x0]  }
0x28: {  	v6 =	vld [tilespmem:s25+$0x10]  }
0x29: {  	v9 =	vld [tilespmem:s25+$0x20]  }
0x2a: {  	v8 =	vld [tilespmem:s25+$0x30]  }
0x2b: {  	v7 =	vld [tilespmem:s25+$0x40]  }
0x2c: {  	v5 =	vld [tilespmem:s25+$0x50]  }
0x2d: {  	s26 =	simm.s32 $0x200;
	s0 =	simm.s32 $0x0;
	v10 =	vadd.s32 v1, v4;
	v11 =	vadd.s32 v6, v1;
	v6 =	vld [tilespmem:s25+$0x60];
	v4 =	vmov v1  }
.LBB2_4:
0x2e: {  	p0 =	sne.s32 s26, $0x7E00;
	[tilespmem:s0+$0x6000] =	vst v10;
	v10 =	vadd.s32 $0x10, v11;
	v9 =	vadd.s32 v9, v4;
	v11 =	vld [tilespmem:s0+$0x70]  }
0x2f: {  	[tilespmem:s0+$0x6010] =	vst v10;
	v9 =	vadd.s32 $0x20, v9;
	v8 =	vadd.s32 v8, v4  }
0x30: {  	[tilespmem:s0+$0x6020] =	vst v9;
	v8 =	vadd.s32 $0x30, v8;
	v7 =	vadd.s32 v7, v4  }
0x31: {  	[tilespmem:s0+$0x6030] =	vst v8;
	v7 =	vadd.s32 $0x40, v7;
	v5 =	vadd.s32 v5, v4  }
0x32: {  	[tilespmem:s0+$0x6040] =	vst v7;
	v5 =	vadd.s32 $0x50, v5;
	v6 =	vadd.s32 v6, v4  }
0x33: {  	[tilespmem:s0+$0x6050] =	vst v5;
	v5 =	vadd.s32 $0x60, v6;
	v6 =	vadd.s32 v11, v4  }
0x34: {  	s28 =	sshra.s32 s26, $0x2;
	s29 =	sadd.s32 $0x6000, s0;
	s30 =	sadd.s32 $0x8000, s0;
	[tilespmem:s0+$0x6060] =	vst v5;
	v5 =	vadd.s32 $0x70, v6  }
0x35: {  	[tilespmem:s0+$0x6070] =	vst v5;
	[tilespmem:s30], [sflag:$0x3] =	stream.indirect.gather [hbm4b:s1+s12], $0x1, s29, s12, $0xb8  }
0x36: {  	s0 =	smov.u32 s28;
	v6 =	vld [tilespmem:s28+$0x0]  }
0x37: {  	v11 =	vld [tilespmem:s0+$0x10]  }
.Ltmp1:
0x38: {  	v9 =	vld [tilespmem:s0+$0x20];
	(pc) =	sbr.rel @p0 .LBB2_4-.Ltmp1, $4  }
0x39: {  	v8 =	vld [tilespmem:s0+$0x30]  }
0x3a: {  	v7 =	vld [tilespmem:s0+$0x40]  }
0x3b: {  	v4 =	vadd.s32 $0x400, v4;
	v5 =	vld [tilespmem:s0+$0x50]  }
0x3c: {  	s26 =	sadd.s32 $0x200, s26;
	v10 =	vadd.s32 v4, v6;
	v11 =	vadd.s32 v11, v4;
	v6 =	vld [tilespmem:s0+$0x60]  }
0x3d: {  	[tilespmem:s0+$0x6000] =	vst v10;
	v10 =	vadd.s32 $0x10, v11;
	v9 =	vadd.s32 v9, v4;
	v11 =	vld [tilespmem:s0+$0x70]  }
0x3e: {  	[tilespmem:s0+$0x6010] =	vst v10;
	v9 =	vadd.s32 $0x20, v9;
	v8 =	vadd.s32 v8, v4  }
0x3f: {  	[tilespmem:s0+$0x6020] =	vst v9;
	v8 =	vadd.s32 $0x30, v8;
	v7 =	vadd.s32 v7, v4  }
0x40: {  	[tilespmem:s0+$0x6030] =	vst v8;
	v7 =	vadd.s32 $0x40, v7;
	v5 =	vadd.s32 v5, v4  }
0x41: {  	[tilespmem:s0+$0x6040] =	vst v7;
	v5 =	vadd.s32 $0x50, v5;
	v6 =	vadd.s32 v6, v4  }
0x42: {  	[tilespmem:s0+$0x6050] =	vst v5;
	v5 =	vadd.s32 $0x60, v6;
	v4 =	vadd.s32 v11, v4  }
0x43: {  	[tilespmem:s0+$0x6060] =	vst v5;
	v4 =	vadd.s32 $0x70, v4  }
0x44: {  	s26 =	sadd.s32 $0x6000, s0;
	s28 =	sadd.s32 $0x8000, s0;
	[tilespmem:s0+$0x6070] =	vst v4  }
0x45: {  	[tilespmem:s28], [sflag:$0x3] =	stream.indirect.gather [hbm4b:s1+s12], $0x1, s26, s12, $0xb8;
	[tilespmem:$0x14000] =	vst v63  }
0x46: {  	v4 =	vld [tilespmem:s25+$0x0]  }
0x47: {  	v6 =	vld [tilespmem:s25+$0x10]  }
0x48: {  	v9 =	vld [tilespmem:s25+$0x20]  }
0x49: {  	v8 =	vld [tilespmem:s25+$0x30]  }
0x4a: {  	v7 =	vld [tilespmem:s25+$0x40]  }
0x4b: {  	v5 =	vld [tilespmem:s25+$0x50]  }
0x4c: {  	s0 =	simm.s32 $0x200;
	v10 =	vadd.s32 v2, v4;
	v11 =	vadd.s32 v6, v2;
	v6 =	vld [tilespmem:s25+$0x60];
	v4 =	vmov v2  }
.LBB2_6:
0x4d: {  	p0 =	sne.s32 s0, $0x7E00;
	[tilespmem:s25+$0xE000] =	vst v10;
	v10 =	vadd.s32 $0x10, v11;
	v9 =	vadd.s32 v9, v4;
	v11 =	vld [tilespmem:s25+$0x70]  }
0x4e: {  	[tilespmem:s25+$0xE010] =	vst v10;
	v9 =	vadd.s32 $0x20, v9;
	v8 =	vadd.s32 v8, v4  }
0x4f: {  	[tilespmem:s25+$0xE020] =	vst v9;
	v8 =	vadd.s32 $0x30, v8;
	v7 =	vadd.s32 v7, v4  }
0x50: {  	[tilespmem:s25+$0xE030] =	vst v8;
	v7 =	vadd.s32 $0x40, v7;
	v5 =	vadd.s32 v5, v4  }
0x51: {  	[tilespmem:s25+$0xE040] =	vst v7;
	v5 =	vadd.s32 $0x50, v5;
	v6 =	vadd.s32 v6, v4  }
0x52: {  	[tilespmem:s25+$0xE050] =	vst v5;
	v5 =	vadd.s32 $0x60, v6;
	v6 =	vadd.s32 v11, v4  }
0x53: {  	s26 =	sshra.s32 s0, $0x2;
	s28 =	sadd.s32 $0xE000, s25;
	s29 =	sadd.s32 $0x10000, s25;
	[tilespmem:s25+$0xE060] =	vst v5;
	v5 =	vadd.s32 $0x70, v6  }
0x54: {  	[tilespmem:s25+$0xE070] =	vst v5;
	[tilespmem:s29], [sflag:$0x4] =	stream.indirect.gather [hbm4b:s1+s12], $0x1, s28, s12, $0xb8  }
0x55: {  	s25 =	smov.u32 s26;
	v6 =	vld [tilespmem:s26+$0x0]  }
0x56: {  	v11 =	vld [tilespmem:s25+$0x10]  }
.Ltmp2:
0x57: {  	v9 =	vld [tilespmem:s25+$0x20];
	(pc) =	sbr.rel @p0 .LBB2_6-.Ltmp2, $4  }
0x58: {  	v8 =	vld [tilespmem:s25+$0x30]  }
0x59: {  	v7 =	vld [tilespmem:s25+$0x40]  }
0x5a: {  	v4 =	vadd.s32 $0x400, v4;
	v5 =	vld [tilespmem:s25+$0x50]  }
0x5b: {  	s0 =	sadd.s32 $0x200, s0;
	v10 =	vadd.s32 v4, v6;
	v11 =	vadd.s32 v11, v4;
	v6 =	vld [tilespmem:s25+$0x60]  }
0x5c: {  	[tilespmem:s25+$0xE000] =	vst v10;
	v62 =	vadd.s32 $0x10, v11;
	v9 =	vadd.s32 v9, v4;
	v63 =	vld [tilespmem:s25+$0x70]  }
0x5d: {  	[tilespmem:s25+$0xE010] =	vst v62;
	v9 =	vadd.s32 $0x20, v9;
	v8 =	vadd.s32 v8, v4  }
0x5e: {  	[tilespmem:s25+$0xE020] =	vst v9;
	v8 =	vadd.s32 $0x30, v8;
	v7 =	vadd.s32 v7, v4  }
0x5f: {  	[tilespmem:s25+$0xE030] =	vst v8;
	v7 =	vadd.s32 $0x40, v7;
	v5 =	vadd.s32 v5, v4  }
0x60: {  	[tilespmem:s25+$0xE040] =	vst v7;
	v5 =	vadd.s32 $0x50, v5;
	v6 =	vadd.s32 v6, v4  }
0x61: {  	[tilespmem:s25+$0xE050] =	vst v5;
	v5 =	vadd.s32 $0x60, v6;
	v4 =	vadd.s32 v63, v4  }
0x62: {  	[tilespmem:s25+$0xE060] =	vst v5;
	v4 =	vadd.s32 $0x70, v4  }
0x63: {  	s0 =	sadd.s32 $0xE000, s25;
	s26 =	sadd.s32 $0x10000, s25;
	[tilespmem:s25+$0xE070] =	vst v4  }
0x64: {  	[tilespmem:s26], [sflag:$0x4] =	stream.indirect.gather [hbm4b:s1+s12], $0x1, s0, s12, $0xb8;
	[tilespmem:$0x14000] =	vst v63  }
0x65: {  	_ =	swait.ge [sflag:s19], $0x80  }
0x66: {  	s0 =	simm.s32 $0x3F;
	[sflag:s19] =	ssyncset.done $0x0  }
.LBB2_8:
0x67: {  	p0 =	sne.s32 s0, $0x1;
	s0 =	sadd.s32 $0xFFFFFFFF, s0;
	[sflag:s19] =	ssyncadd.s32 $0xFFFFFF80  }
.Ltmp3:
0x68: {  	(pc) =	sbr.rel @p0 .LBB2_8-.Ltmp3, $3  }
0x69: {  	_ =	sdelay $0x1  }
0x6a: {  	_ =	swait.ge [sflag:s19], $0x80  }
0x6b: {  	[sflag:s19] =	ssyncset.done $0x0  }
0x6c: {  	[sflag:s19] =	ssyncadd.s32 $0xFFFFFF80  }
0x6d: {  	_ =	swait.ge [sflag:s20], $0x2000  }
0x6e: {  	[sflag:s20] =	ssyncset.done $0x0  }
0x6f: {  	[sflag:s20] =	ssyncadd.s32 $0xFFFFE000  }
0x70: {  	_ =	swait.ge [sflag:s20], $0x2000  }
0x71: {  	[sflag:s20] =	ssyncset.done $0x0  }
0x72: {  	s26 =	simm.s32 $0x2040;
	[sflag:s20] =	ssyncadd.s32 $0xFFFFE000  }
0x73: {  	s28 =	simm.s32 $0x8040;
	v4 =	vld [tilespmem:s26+$0x30]  }
0x74: {  	s29 =	simm.s32 $0x4040;
	v5 =	vld [tilespmem:s28+$0x30]  }
0x75: {  	s0 =	simm.s32 $0x40;
	v7 =	vld [tilespmem:s29+$0x30]  }
0x76: {  	v8 =	vld [tilespmem:s0+$0x30]  }
0x77: {  	v10 =	vld [tilespmem:s0+$0x10]  }
0x78: {  	v11 =	vld [tilespmem:s29+$0x10]  }
0x79: {  	v12 =	vld [tilespmem:s0+$0xFFFFFFF0]  }
0x7a: {  	v13 =	vld [tilespmem:s29+$0xFFFFFFF0]  }
0x7b: {  	v14 =	vld [tilespmem:s28+$0xFFFFFFF0]  }
0x7c: {  	v15 =	vld [tilespmem:s26+$0xFFFFFFF0]  }
0x7d: {  	v16 =	vld [tilespmem:s0+$0xFFFFFFC0]  }
0x7e: {  	v18 =	vld [tilespmem:s29+$0xFFFFFFD0]  }
0x7f: {  	v19 =	vld [tilespmem:s28+$0xFFFFFFD0]  }
0x80: {  	v31 =	vld [tilespmem:s28+$0x0]  }
0x81: {  	v32 =	vld [tilespmem:s26+$0x0]  }
0x82: {  	v20 =	vld [tilespmem:s26+$0xFFFFFFD0]  }
0x83: {  	v21 =	vld [tilespmem:s29+$0xFFFFFFC0]  }
0x84: {  	v6 =	vimm.f32 $-Inf;
	v17 =	vld [tilespmem:s0+$0xFFFFFFD0]  }
0x85: {  	v9 =	vimm.s32 $0x0;
	v22 =	vld [tilespmem:s28+$0xFFFFFFC0];
	v7 =	vshll.u32 v7, $0x13;
	v4 =	vsub.f32 v4, v5  }
0x86: {  	v5 =	vshll.u32 v13, $0x13;
	v13 =	vld [tilespmem:s0+$0xFFFFFFE0];
	v31 =	vsub.f32 v32, v31;
	vm1 =	veq.s32 v7, v8  }
0x87: {  	v7 =	vshll.u32 v11, $0x13;
	v8 =	vld [tilespmem:s26+$0xFFFFFFC0];
	vm2 =	veq.s32 v5, v12;
	v11 =	vsub.f32 v15, v14  }
0x88: {  	s25 =	simm.s32 $0x70;
	v12 =	vshll.u32 v18, $0x13;
	v14 =	vsub.f32 v20, v19;
	v15 =	vld [tilespmem:s29+$0xFFFFFFE0];
	v18 =	vshll.u32 v21, $0x13  }
0x89: {  	v5 =	vsel vm1, $0xFF800000, v4;
	v4 =	vor.u32 s25, v0;
	vm1 =	veq.s32 v12, v17;
	v12 =	vld [tilespmem:s28+$0xFFFFFFE0]  }
0x8a: {  	s30 =	simm.s32 $0x10;
	vm5 =	veq.s32 v7, v10;
	vm3 =	veq.s32 v18, v16;
	v10 =	vld [tilespmem:s26+$0xFFFFFFE0];
	v7 =	vsel vm1, $0xFF800000, v14  }
0x8b: {  	v28 =	vsel vm2, $0xFF800000, v11;
	v11 =	vor.u32 s30, v0;
	s30 =	simm.s32 $0x30;
	vm1 =	vgt.f32 v7, v6  }
0x8c: {  	v14 =	vld [tilespmem:s29+$0x0];
	v25 =	vor.u32 s30, v0;
	v29 =	vsel vm1, v7, v6;
	v7 =	vsel vm1, v6, v7  }
0x8d: {  	v17 =	vsel vm1, v9, v11;
	v24 =	vsel vm1, v11, v9;
	v15 =	vshll.u32 v15, $0x13  }
0x8e: {  	v19 =	vld [tilespmem:s0+$0x0];
	v8 =	vsub.f32 v8, v22;
	vm4 =	vgt.f32 v28, v29;
	vm2 =	veq.s32 v15, v13  }
0x8f: {  	v10 =	vsub.f32 v10, v12;
	v22 =	vsel vm4, v28, v29;
	v18 =	vsel vm4, v25, v24  }
0x90: {  	v15 =	vld [tilespmem:s28+$0x10];
	v29 =	vsel vm4, v29, v28;
	v8 =	vsel vm3, $0xFF800000, v8;
	vm3 =	vgt.f32 v7, v6  }
0x91: {  	v12 =	vld [tilespmem:s26+$0x10];
	v11 =	vshll.u32 v14, $0x13;
	vm8 =	vgt.f32 v8, v6;
	v16 =	vsel vm3, v7, v6  }
0x92: {  	s30 =	simm.s32 $0x0;
	v13 =	vsel vm3, v9, v17;
	v27 =	vsel vm3, v6, v7;
	v10 =	vsel vm2, $0xFF800000, v10  }
0x93: {  	vm7 =	veq.s32 v11, v19;
	v7 =	vor.u32 s30, v0;
	v20 =	vsel vm8, v6, v8  }
0x94: {  	v8 =	vsel vm8, v8, v6;
	vm6 =	vgt.f32 v27, v6;
	v21 =	vsel vm8, v7, v9  }
0x95: {  	v19 =	vsel vm8, v9, v7;
	vm1 =	vgt.f32 v20, v6;
	v13 =	vsel vm6, v13, v9  }
0x96: {  	vm2 =	vgt.f32 v10, v8;
	v14 =	vsel vm1, v20, v6;
	v12 =	vsub.f32 v12, v15  }
0x97: {  	v30 =	vld [tilespmem:s29+$0x20];
	v23 =	vsel vm1, v6, v20;
	v20 =	vsel vm2, v10, v8;
	v11 =	vsel vm1, v19, v9  }
0x98: {  	v28 =	vld [tilespmem:s28+$0x20];
	v15 =	vsel vm2, v8, v10;
	v10 =	vimm.s32 $0x0;
	v26 =	vsel vm5, $0xFF800000, v12  }
0x99: {  	s31 =	simm.s32 $0xC0;
	s30 =	simm.s32 $0xF0;
	v7 =	vld [tilespmem:s0+$0x20];
	s0 =	simm.s32 $0x50;
	v8 =	vimm.s32 $0x0;
	v12 =	vimm.f32 $-Inf;
	vm5 =	vgt.f32 v26, v22  }
.LBB2_10:
0x9a: {  	vm9 =	vgt.f32 v23, v6;
	vm8 =	vgt.f32 v29, v16;
	v32 =	vor.u32 s0, v0;
	v33 =	vld [tilespmem:s26+$0x20];
	s29 =	sadd.s32 $0x80, s29;
	s28 =	sadd.s32 $0x80, s28;
	s26 =	sadd.s32 $0x80, s26  }
0x9b: {  	p0 =	sne.s32 s30, $0x1FF0;
	v12 =	vsel vm6, v27, v12;
	s0 =	smov.u32 s30;
	s30 =	sadd.s32 $0x80, s30;
	v34 =	vld [tilespmem:s31+$0x20];
	v27 =	vsel vm8, v16, v29;
	v31 =	vsel vm7, $0xFF800000, v31  }
0x9c: {  	v9 =	vsel vm3, v17, v9;
	v6 =	vsel vm9, v23, v6;
	v17 =	vsel vm5, v32, v18;
	v35 =	vld [tilespmem:s26+$0x30]  }
0x9d: {  	v10 =	vsel vm1, v10, v19;
	vm3 =	vgt.f32 v27, v12;
	v23 =	vld [tilespmem:s28+$0x30];
	v19 =	vshll.u32 v30, $0x13  }
0x9e: {  	v24 =	vsel vm4, v24, v25;
	v16 =	vsel vm8, v29, v16;
	v30 =	vld [tilespmem:s29+$0x30];
	vm4 =	veq.s32 v19, v7  }
0x9f: {  	vm6 =	vgt.f32 v15, v14;
	vm1 =	vgt.f32 v31, v20;
	v19 =	vsub.f32 v33, v28  }
0xa0: {  	s3 =	sadd.s32 $0xFFFFFFB0, s25;
	v25 =	vsel vm6, v15, v14;
	v14 =	vsel vm6, v14, v15;
	v15 =	vsel vm5, v22, v26;
	v7 =	vmovc v34  }
0xa1: {  	v8 =	vsel vm9, v10, v8;
	v10 =	vor.u32 s3, v0;
	v28 =	vsel vm8, v24, v9  }
0xa2: {  	v29 =	vsel vm2, v21, v10;
	v12 =	vsel vm3, v27, v12;
	v19 =	vsel vm4, $0xFF800000, v19  }
0xa3: {  	v22 =	vsel vm5, v26, v22;
	vm7 =	vgt.f32 v15, v16;
	v27 =	vshll.u32 v30, $0x13  }
0xa4: {  	v18 =	vsel vm5, v18, v32;
	v26 =	vsel vm6, v29, v11;
	v30 =	vsel vm1, v20, v31  }
0xa5: {  	vm9 =	vgt.f32 v14, v6;
	v9 =	vsel vm8, v9, v24;
	v24 =	vsel vm7, v16, v15  }
0xa6: {  	v10 =	vsel vm2, v10, v21;
	v21 =	vsel vm7, v18, v28;
	vm2 =	vgt.f32 v30, v25  }
0xa7: {  	v6 =	vsel vm9, v14, v6;
	v14 =	vsel vm7, v28, v18;
	vm4 =	vgt.f32 v5, v22  }
0xa8: {  	v15 =	vsel vm7, v15, v16;
	v18 =	vsel vm1, v31, v20;
	v16 =	vsel vm4, v22, v5  }
0xa9: {  	vm7 =	vgt.f32 v24, v12;
	vm5 =	vgt.f32 v16, v15;
	v20 =	vsel vm2, v25, v30  }
0xaa: {  	v11 =	vsel vm6, v11, v29;
	v9 =	vsel vm3, v9, v13;
	v12 =	vsel vm7, v24, v12  }
0xab: {  	s3 =	sadd.s32 $0xFFFFFFD0, s25;
	v8 =	vsel vm9, v11, v8;
	v11 =	vsel vm7, v14, v9;
	vm3 =	vgt.f32 v20, v6  }
0xac: {  	v9 =	vor.u32 s3, v0;
	v13 =	vsel vm5, v15, v16;
	v6 =	vsel vm3, v20, v6  }
0xad: {  	v14 =	vsel vm1, v10, v9;
	vm7 =	vgt.f32 v19, v18;
	vm6 =	vgt.f32 v13, v12  }
0xae: {  	v24 =	vsel vm7, v18, v19;
	v12 =	vsel vm6, v13, v12;
	v20 =	vsel vm2, v30, v25  }
0xaf: {  	s3 =	sadd.s32 $0xFFFFFFF0, s25;
	s25 =	smov.u32 s0;
	v13 =	vsel vm7, v19, v18;
	v18 =	vsel vm4, v17, v4;
	vm8 =	vgt.f32 v24, v20  }
0xb0: {  	v9 =	vsel vm1, v9, v10;
	v10 =	vor.u32 s3, v0;
	v15 =	vsel vm5, v16, v15;
	v19 =	vld [tilespmem:s31+$0x30]  }
0xb1: {  	v28 =	vsel vm7, v10, v9;
	v10 =	vsel vm7, v9, v10;
	v25 =	vsel vm8, v20, v24;
	v16 =	vld [tilespmem:s31+$0x10]  }
0xb2: {  	v22 =	vsel vm4, v5, v22;
	v30 =	vsel vm2, v14, v26;
	vm7 =	vgt.f32 v25, v6;
	v29 =	vld [tilespmem:s29+$0x10]  }
0xb3: {  	v20 =	vsel vm8, v24, v20;
	v5 =	vsel vm8, v30, v10;
	v24 =	vsel vm4, v4, v17;
	v31 =	vld [tilespmem:s31+$0x0]  }
0xb4: {  	v14 =	vsel vm2, v26, v14;
	v9 =	vsel vm5, v18, v21;
	v17 =	vsel vm5, v21, v18;
	v4 =	vld [tilespmem:s31+$0xFFFFFFF0]  }
0xb5: {  	v21 =	vsub.f32 v35, v23;
	v10 =	vsel vm8, v10, v30;
	v18 =	vld [tilespmem:s29+$0xFFFFFFF0];
	vm1 =	veq.s32 v27, v19  }
0xb6: {  	v8 =	vsel vm3, v14, v8;
	v11 =	vsel vm6, v17, v11;
	v6 =	vsel vm7, v25, v6;
	v19 =	vld [tilespmem:s28+$0xFFFFFFF0]  }
0xb7: {  	v8 =	vsel vm7, v5, v8;
	v14 =	vld [tilespmem:s26+$0xFFFFFFF0];
	v17 =	vshll.u32 v29, $0x13  }
0xb8: {  	v23 =	vld [tilespmem:s31+$0xFFFFFFC0]  }
0xb9: {  	v25 =	vld [tilespmem:s31+$0xFFFFFFD0]  }
0xba: {  	v5 =	vld [tilespmem:s29+$0xFFFFFFD0];
	v18 =	vshll.u32 v18, $0x13  }
0xbb: {  	v26 =	vld [tilespmem:s28+$0xFFFFFFD0];
	vm2 =	veq.s32 v18, v4  }
0xbc: {  	v4 =	vld [tilespmem:s26+$0xFFFFFFD0];
	v14 =	vsub.f32 v14, v19  }
0xbd: {  	v18 =	vld [tilespmem:s29+$0xFFFFFFC0]  }
0xbe: {  	v19 =	vld [tilespmem:s28+$0xFFFFFFC0]  }
0xbf: {  	v27 =	vld [tilespmem:s26+$0xFFFFFFC0];
	v29 =	vshll.u32 v5, $0x13  }
0xc0: {  	v30 =	vld [tilespmem:s31+$0xFFFFFFE0]  }
0xc1: {  	v5 =	vsel vm1, $0xFF800000, v21;
	v26 =	vsub.f32 v4, v26;
	v32 =	vld [tilespmem:s29+$0xFFFFFFE0];
	v4 =	vor.u32 s25, v0  }
0xc2: {  	vm5 =	veq.s32 v17, v16;
	vm1 =	veq.s32 v29, v25;
	v18 =	vshll.u32 v18, $0x13;
	v21 =	vld [tilespmem:s28+$0xFFFFFFE0]  }
0xc3: {  	s0 =	sadd.s32 $0xFFFFFFA0, s25;
	v29 =	vsel vm2, $0xFF800000, v14;
	vm3 =	veq.s32 v18, v23;
	v16 =	vsel vm1, $0xFF800000, v26;
	v18 =	vld [tilespmem:s26+$0xFFFFFFE0]  }
0xc4: {  	v14 =	vsub.f32 v27, v19;
	v19 =	vor.u32 s0, v0;
	vm1 =	vgt.f32 v16, v22;
	v23 =	vld [tilespmem:s29+$0x0]  }
0xc5: {  	v33 =	vsel vm1, v16, v22;
	v22 =	vsel vm1, v22, v16;
	v17 =	vsel vm1, v24, v19;
	v34 =	vld [tilespmem:s28+$0x0]  }
0xc6: {  	v14 =	vsel vm3, $0xFF800000, v14;
	vm3 =	vgt.f32 v22, v15;
	v25 =	vshll.u32 v32, $0x13;
	v32 =	vld [tilespmem:s26+$0x0]  }
0xc7: {  	vm8 =	vgt.f32 v14, v13;
	v16 =	vsel vm3, v22, v15;
	vm2 =	veq.s32 v25, v30;
	v26 =	vld [tilespmem:s28+$0x10]  }
0xc8: {  	vm4 =	vgt.f32 v29, v33;
	v30 =	vsel vm3, v9, v17;
	v18 =	vsub.f32 v18, v21;
	v35 =	vld [tilespmem:s26+$0x10]  }
0xc9: {  	v24 =	vsel vm1, v19, v24;
	v36 =	vsel vm8, v13, v14;
	v19 =	vshll.u32 v23, $0x13  }
0xca: {  	s0 =	sadd.s32 $0xFFFFFFC0, s25;
	v27 =	vsel vm3, v15, v22;
	v37 =	vsel vm8, v14, v13;
	vm1 =	vgt.f32 v36, v20  }
0xcb: {  	v25 =	vor.u32 s0, v0;
	vm6 =	vgt.f32 v27, v12;
	v15 =	vsel vm2, $0xFF800000, v18  }
0xcc: {  	s0 =	sadd.s32 $0xFFFFFF90, s25;
	v22 =	vsel vm4, v29, v33;
	v18 =	vsel vm4, v25, v24;
	vm7 =	veq.s32 v19, v31  }
.Ltmp4:
0xcd: {  	v13 =	vsel vm6, v30, v11;
	v19 =	vor.u32 s0, v0;
	vm2 =	vgt.f32 v15, v37;
	(pc) =	sbr.rel @p0 .LBB2_10-.Ltmp4, $4  }
0xce: {  	v14 =	vsel vm1, v36, v20;
	v21 =	vsel vm8, v19, v28;
	v26 =	vsub.f32 v35, v26  }
0xcf: {  	v23 =	vsel vm1, v20, v36;
	v19 =	vsel vm8, v28, v19;
	v20 =	vsel vm2, v15, v37  }
0xd0: {  	v11 =	vsel vm1, v19, v10;
	v15 =	vsel vm2, v37, v15;
	v26 =	vsel vm5, $0xFF800000, v26;
	v30 =	vld [tilespmem:s29+$0x20]  }
0xd1: {  	s31 =	sadd.s32 $0x80, s31;
	v29 =	vsel vm4, v33, v29;
	s0 =	sadd.s32 $0xFFFFFFE0, s25;
	v31 =	vsub.f32 v32, v34;
	vm5 =	vgt.f32 v26, v22;
	v28 =	vld [tilespmem:s28+$0x20]  }
0xd2: {  	vm8 =	vgt.f32 v29, v16;
	v32 =	vor.u32 s0, v0  }
0xd3: {  	v12 =	vsel vm6, v27, v12;
	v9 =	vsel vm3, v17, v9;
	v24 =	vsel vm4, v24, v25  }
0xd4: {  	vm3 =	vgt.f32 v15, v14;
	v58 =	vsel vm5, v22, v26;
	v61 =	vsel vm5, v26, v22  }
0xd5: {  	s29 =	sadd.s32 $0xFFFFFFB0, s25;
	v54 =	vsel vm8, v16, v29;
	v31 =	vsel vm7, $0xFF800000, v31;
	v17 =	vsel vm5, v32, v18  }
0xd6: {  	v55 =	vsel vm8, v29, v16;
	v56 =	vsel vm3, v15, v14;
	v57 =	vor.u32 s29, v0  }
0xd7: {  	s30 =	sadd.s32 $0xFFFFFFD0, s25;
	s31 =	sadd.s32 $0xFFFFFFF0, s25;
	v59 =	vsel vm8, v24, v9;
	v36 =	vsel vm5, v18, v32;
	v9 =	vsel vm8, v9, v24  }
0xd8: {  	vm4 =	vgt.f32 v5, v61;
	v42 =	vor.u32 s30, v0;
	v47 =	vor.u32 s31, v0  }
0xd9: {  	vm15 =	vgt.f32 v54, v12;
	vm6 =	vgt.f32 v31, v20;
	v60 =	vsel vm2, v21, v57  }
0xda: {  	vm9 =	vgt.f32 v58, v55;
	v38 =	vsel vm2, v57, v21;
	v41 =	vsel vm4, v61, v5  }
0xdb: {  	v33 =	vld [tilespmem:s26+$0x20];
	v46 =	vsel vm4, v17, v4;
	v30 =	vshll.u32 v30, $0x13;
	v12 =	vsel vm15, v54, v12  }
0xdc: {  	v62 =	vsel vm3, v60, v11;
	v63 =	vsel vm6, v20, v31;
	v37 =	vsel vm9, v55, v58  }
0xdd: {  	v39 =	vsel vm9, v36, v59;
	v18 =	vsel vm9, v59, v36;
	v40 =	vsel vm6, v31, v20  }
0xde: {  	v16 =	vsel vm9, v58, v55;
	v9 =	vsel vm15, v9, v13;
	v44 =	vsel vm6, v38, v42  }
0xdf: {  	v13 =	vsel vm6, v42, v38;
	vm11 =	veq.s32 v30, v7;
	vm2 =	vgt.f32 v63, v56  }
0xe0: {  	vm12 =	vgt.f32 v37, v12;
	vm13 =	vgt.f32 v41, v16;
	v7 =	vsub.f32 v33, v28  }
0xe1: {  	v12 =	vsel vm12, v37, v12;
	v9 =	vsel vm12, v18, v9;
	v43 =	vsel vm13, v16, v41  }
0xe2: {  	v45 =	vsel vm2, v63, v56;
	v16 =	vsel vm13, v41, v16;
	v48 =	vsel vm2, v44, v62  }
0xe3: {  	v50 =	vsel vm13, v46, v39;
	vm15 =	vgt.f32 v43, v12;
	v7 =	vsel vm11, $0xFF800000, v7  }
0xe4: {  	v18 =	vsel vm13, v39, v46;
	v12 =	vsel vm15, v43, v12;
	vm14 =	vgt.f32 v7, v40  }
0xe5: {  	v9 =	vsel vm15, v18, v9;
	v31 =	vsel vm14, v40, v7;
	v7 =	vsel vm14, v7, v40  }
0xe6: {  	v21 =	vsel vm14, v47, v13;
	v13 =	vsel vm14, v13, v47;
	vm11 =	vgt.f32 v31, v45  }
0xe7: {  	vm12 =	vgt.f32 v7, v12;
	v49 =	vsel vm11, v31, v45;
	v51 =	vsel vm11, v13, v48  }
0xe8: {  	v7 =	vsel vm12, v7, v12;
	v9 =	vsel vm12, v21, v9;
	vm13 =	vgt.f32 v49, v16  }
0xe9: {  	(xrf1) =	vsort.ascd.msk.f32 $0xffff, v7, v9;
	v52 =	vsel vm13, v49, v16;
	v53 =	vsel vm13, v51, v50  }
0xea: {  	(xrf1) =	vsort.ascd.msk.f32 $0xffff, v52, v53;
	_ =	sdelay $0x5  }
0xeb: {  	vm14 =	vgt.f32 v23, v6  }
0xec: {  	v6 =	vsel vm14, v23, v6;
	v7 =	vsel vm3, v14, v15  }
0xed: {  	vm15 =	vgt.f32 v7, v6  }
0xee: {  	v5 =	vsel vm4, v5, v61;
	v6 =	vsel vm15, v7, v6;
	v7 =	vsel vm2, v56, v63  }
0xef: {  	v54 =	vsel vm1, v10, v19;
	v55 =	vsel vm3, v11, v60;
	vm1 =	vgt.f32 v7, v6  }
0xf0: {  	v58 =	vsel vm4, v4, v17;
	v6 =	vsel vm1, v7, v6;
	v7 =	vsel vm11, v45, v31  }
0xf1: {  	v4 =	vsel vm2, v62, v44;
	v8 =	vsel vm14, v54, v8;
	v56 =	vmul.u32 $0xFFFFFFFF, v0  }
0xf2: {  	v57 =	vsel vm11, v48, v13;
	v8 =	vsel vm15, v55, v8;
	vm3 =	vgt.f32 v7, v6;
	v59, v60, _ =	vpop (xrf1)  }
0xf3: {  	v8 =	vsel vm1, v4, v8;
	v4 =	vadd.s32 $0xF, v56;
	v6 =	vsel vm3, v7, v6;
	v7, v61, _ =	vpop (xrf1)  }
0xf4: {  	v8 =	vsel vm3, v57, v8;
	vm1 =	vgt.f32 v6, v5;
	v7 =	vperm.xlane v7, v4  }
0xf5: {  	v5 =	vsel vm1, v6, v5;
	v6 =	vsel vm1, v8, v58;
	v62 =	vperm.xlane v61, v4  }
0xf6: {  	(xrf1) =	vsort.ascd.msk.f32 $0xffff, v5, v6;
	vm1 =	vge.f32 v59, v7  }
0xf7: {  	v5 =	vsel vm1, v59, v7;
	v6 =	vsel vm1, v60, v62  }
0xf8: {  	(xrf1) =	vsort.ascd.msk.f32 $0xffff, v5, v6;
	_ =	sdelay $0xb  }
0xf9: {  	v5, v6, _ =	vpop (xrf1)  }
0xfa: {  	v5 =	vperm.xlane v5, v4  }
0xfb: {  	v6 =	vperm.xlane v6, v4;
	v7, v63, _ =	vpop (xrf1)  }
0xfc: {  	vm1 =	vge.f32 v7, v5  }
0xfd: {  	v5 =	vsel vm1, v7, v5;
	v6 =	vsel vm1, v63, v6  }
0xfe: {  	(xrf1) =	vsort.ascd.msk.f32 $0xffff, v5, v6;
	_ =	sdelay $0xd  }
0xff: {  	v5, v6, _ =	vpop (xrf1)  }
0x100: {  	v7 =	vsub.f32 $0.0e+00, v5;
	_ =	sdelay $0x1  }
0x101: {  	vm1 =	vgt.f32 v5, $1.000000010e-01;
	v5 =	vmul.f32 $1.442695020e+00, v7  }
0x102: {  	vm1 =	vmand vm1, vm0  }
0x103: {  	v5 =	vnsel vm1, $0x0, v5  }
0x104: {  	(erf) = vpow2.f32 v5;
	_ =	sdelay $0x8  }
0x105: {  	v5 =	vpop (erf)  }
0x106: {  	v5 =	vadd.f32 $1.000000000e+00, v5;
	_ =	sdelay $0x1  }
0x107: {  	(erf) = vrcp.f32 v5;
	_ =	sdelay $0x8  }
0x108: {  	v5 =	vpop (erf)  }
0x109: {  	[tilespmem:v6+s21+$0x0] =	vst.idx.msk vm1, v5  }
0x10a: {  	[hbm4b:s9+s12] =	stream.strided.scatter [tilespmem:s21], [sflag:$0x5], $0x2000, s13, s12, $0x38;
	[tilespmem:$0x14000] =	vst v63  }
0x10b: {  	_ =	swait.ge [sflag:s18], $0x2000  }
0x10c: {  	[sflag:s18] =	ssyncset.done $0x0  }
0x10d: {  	[sflag:s18] =	ssyncadd.s32 $0xFFFFE000  }
0x10e: {  	[tilespmem:v6+s21+$0x0] =	vst.idx.msk vm1, v3  }
0x10f: {  	_ =	swait.ge [sflag:s22], $0x80  }
0x110: {  	s0 =	simm.s32 $0x3F;
	[sflag:s22] =	ssyncset.done $0x0  }
.LBB2_12:
0x111: {  	p0 =	sne.s32 s0, $0x1;
	s0 =	sadd.s32 $0xFFFFFFFF, s0;
	[sflag:s22] =	ssyncadd.s32 $0xFFFFFF80  }
.Ltmp5:
0x112: {  	(pc) =	sbr.rel @p0 .LBB2_12-.Ltmp5, $3  }
0x113: {  	_ =	sdelay $0x1  }
0x114: {  	_ =	swait.ge [sflag:s22], $0x80  }
0x115: {  	[sflag:s22] =	ssyncset.done $0x0  }
0x116: {  	[sflag:s22] =	ssyncadd.s32 $0xFFFFFF80  }
0x117: {  	_ =	swait.ge [sflag:s23], $0x2000  }
0x118: {  	[sflag:s23] =	ssyncset.done $0x0  }
0x119: {  	[sflag:s23] =	ssyncadd.s32 $0xFFFFE000  }
0x11a: {  	_ =	swait.ge [sflag:s23], $0x2000  }
0x11b: {  	[sflag:s23] =	ssyncset.done $0x0  }
0x11c: {  	s26 =	simm.s32 $0xA040;
	[sflag:s23] =	ssyncadd.s32 $0xFFFFE000  }
0x11d: {  	s28 =	simm.s32 $0x10040;
	v5 =	vld [tilespmem:s26+$0x30]  }
0x11e: {  	s29 =	simm.s32 $0xC040;
	v6 =	vld [tilespmem:s28+$0x30]  }
0x11f: {  	s0 =	simm.s32 $0x40;
	v8 =	vld [tilespmem:s29+$0x30]  }
0x120: {  	v9 =	vld [tilespmem:s0+$0x30]  }
0x121: {  	v11 =	vld [tilespmem:s0+$0x10]  }
0x122: {  	v12 =	vld [tilespmem:s29+$0x10]  }
0x123: {  	v13 =	vld [tilespmem:s0+$0xFFFFFFF0]  }
0x124: {  	v14 =	vld [tilespmem:s29+$0xFFFFFFF0]  }
0x125: {  	v15 =	vld [tilespmem:s28+$0xFFFFFFF0]  }
0x126: {  	v16 =	vld [tilespmem:s26+$0xFFFFFFF0]  }
0x127: {  	v17 =	vld [tilespmem:s0+$0xFFFFFFC0]  }
0x128: {  	v19 =	vld [tilespmem:s29+$0xFFFFFFD0]  }
0x129: {  	v20 =	vld [tilespmem:s28+$0xFFFFFFD0]  }
0x12a: {  	v32 =	vld [tilespmem:s28+$0x0]  }
0x12b: {  	v33 =	vld [tilespmem:s26+$0x0]  }
0x12c: {  	v21 =	vld [tilespmem:s26+$0xFFFFFFD0]  }
0x12d: {  	v22 =	vld [tilespmem:s29+$0xFFFFFFC0]  }
0x12e: {  	v7 =	vimm.f32 $-Inf;
	v18 =	vld [tilespmem:s0+$0xFFFFFFD0]  }
0x12f: {  	v10 =	vimm.s32 $0x0;
	v23 =	vld [tilespmem:s28+$0xFFFFFFC0];
	v8 =	vshll.u32 v8, $0x13;
	v5 =	vsub.f32 v5, v6  }
0x130: {  	v6 =	vshll.u32 v14, $0x13;
	v14 =	vld [tilespmem:s0+$0xFFFFFFE0];
	v32 =	vsub.f32 v33, v32;
	vm1 =	veq.s32 v8, v9  }
0x131: {  	v8 =	vshll.u32 v12, $0x13;
	v9 =	vld [tilespmem:s26+$0xFFFFFFC0];
	vm2 =	veq.s32 v6, v13;
	v12 =	vsub.f32 v16, v15  }
0x132: {  	s25 =	simm.s32 $0x70;
	v13 =	vshll.u32 v19, $0x13;
	v15 =	vsub.f32 v21, v20;
	v16 =	vld [tilespmem:s29+$0xFFFFFFE0];
	v19 =	vshll.u32 v22, $0x13  }
0x133: {  	v6 =	vsel vm1, $0xFF800000, v5;
	v5 =	vor.u32 s25, v0;
	vm1 =	veq.s32 v13, v18;
	v13 =	vld [tilespmem:s28+$0xFFFFFFE0]  }
0x134: {  	s3 =	simm.s32 $0x10;
	vm5 =	veq.s32 v8, v11;
	vm3 =	veq.s32 v19, v17;
	v11 =	vld [tilespmem:s26+$0xFFFFFFE0];
	v8 =	vsel vm1, $0xFF800000, v15  }
0x135: {  	v29 =	vsel vm2, $0xFF800000, v12;
	v12 =	vor.u32 s3, v0;
	s3 =	simm.s32 $0x30;
	vm1 =	vgt.f32 v8, v7  }
0x136: {  	v15 =	vld [tilespmem:s29+$0x0];
	v26 =	vor.u32 s3, v0;
	v30 =	vsel vm1, v8, v7;
	v8 =	vsel vm1, v7, v8  }
0x137: {  	v18 =	vsel vm1, v10, v12;
	v25 =	vsel vm1, v12, v10;
	v16 =	vshll.u32 v16, $0x13  }
0x138: {  	v20 =	vld [tilespmem:s0+$0x0];
	v9 =	vsub.f32 v9, v23;
	vm4 =	vgt.f32 v29, v30;
	vm2 =	veq.s32 v16, v14  }
0x139: {  	v11 =	vsub.f32 v11, v13;
	v23 =	vsel vm4, v29, v30;
	v19 =	vsel vm4, v26, v25  }
0x13a: {  	v16 =	vld [tilespmem:s28+$0x10];
	v30 =	vsel vm4, v30, v29;
	v9 =	vsel vm3, $0xFF800000, v9;
	vm3 =	vgt.f32 v8, v7  }
0x13b: {  	v13 =	vld [tilespmem:s26+$0x10];
	v12 =	vshll.u32 v15, $0x13;
	vm8 =	vgt.f32 v9, v7;
	v17 =	vsel vm3, v8, v7  }
0x13c: {  	s3 =	simm.s32 $0x0;
	v14 =	vsel vm3, v10, v18;
	v28 =	vsel vm3, v7, v8;
	v11 =	vsel vm2, $0xFF800000, v11  }
0x13d: {  	vm7 =	veq.s32 v12, v20;
	v8 =	vor.u32 s3, v0;
	v21 =	vsel vm8, v7, v9  }
0x13e: {  	v9 =	vsel vm8, v9, v7;
	vm6 =	vgt.f32 v28, v7;
	v22 =	vsel vm8, v8, v10  }
0x13f: {  	v20 =	vsel vm8, v10, v8;
	vm1 =	vgt.f32 v21, v7;
	v14 =	vsel vm6, v14, v10  }
0x140: {  	vm2 =	vgt.f32 v11, v9;
	v15 =	vsel vm1, v21, v7;
	v13 =	vsub.f32 v13, v16  }
0x141: {  	v31 =	vld [tilespmem:s29+$0x20];
	v24 =	vsel vm1, v7, v21;
	v21 =	vsel vm2, v11, v9;
	v12 =	vsel vm1, v20, v10  }
0x142: {  	v29 =	vld [tilespmem:s28+$0x20];
	v16 =	vsel vm2, v9, v11;
	v11 =	vimm.s32 $0x0;
	v27 =	vsel vm5, $0xFF800000, v13  }
0x143: {  	s30 =	simm.s32 $0xF0;
	s31 =	simm.s32 $0xC0;
	v8 =	vld [tilespmem:s0+$0x20];
	s0 =	simm.s32 $0x50;
	v9 =	vimm.s32 $0x0;
	v13 =	vimm.f32 $-Inf;
	vm5 =	vgt.f32 v27, v23  }
.LBB2_14:
0x144: {  	vm9 =	vgt.f32 v24, v7;
	vm8 =	vgt.f32 v30, v17;
	v33 =	vor.u32 s0, v0;
	v34 =	vld [tilespmem:s26+$0x20];
	s29 =	sadd.s32 $0x80, s29;
	s28 =	sadd.s32 $0x80, s28;
	s26 =	sadd.s32 $0x80, s26  }
0x145: {  	p0 =	sne.s32 s30, $0x1FF0;
	v13 =	vsel vm6, v28, v13;
	s0 =	smov.u32 s30;
	s30 =	sadd.s32 $0x80, s30;
	v35 =	vld [tilespmem:s31+$0x20];
	v28 =	vsel vm8, v17, v30;
	v32 =	vsel vm7, $0xFF800000, v32  }
0x146: {  	v10 =	vsel vm3, v18, v10;
	v7 =	vsel vm9, v24, v7;
	v18 =	vsel vm5, v33, v19;
	v36 =	vld [tilespmem:s26+$0x30]  }
0x147: {  	v11 =	vsel vm1, v11, v20;
	vm3 =	vgt.f32 v28, v13;
	v24 =	vld [tilespmem:s28+$0x30];
	v20 =	vshll.u32 v31, $0x13  }
0x148: {  	v25 =	vsel vm4, v25, v26;
	v17 =	vsel vm8, v30, v17;
	v31 =	vld [tilespmem:s29+$0x30];
	vm4 =	veq.s32 v20, v8  }
0x149: {  	vm6 =	vgt.f32 v16, v15;
	vm1 =	vgt.f32 v32, v21;
	v20 =	vsub.f32 v34, v29  }
0x14a: {  	s3 =	sadd.s32 $0xFFFFFFB0, s25;
	v26 =	vsel vm6, v16, v15;
	v15 =	vsel vm6, v15, v16;
	v16 =	vsel vm5, v23, v27;
	v8 =	vmovc v35  }
0x14b: {  	v9 =	vsel vm9, v11, v9;
	v11 =	vor.u32 s3, v0;
	v29 =	vsel vm8, v25, v10  }
0x14c: {  	v30 =	vsel vm2, v22, v11;
	v13 =	vsel vm3, v28, v13;
	v20 =	vsel vm4, $0xFF800000, v20  }
0x14d: {  	v23 =	vsel vm5, v27, v23;
	vm7 =	vgt.f32 v16, v17;
	v28 =	vshll.u32 v31, $0x13  }
0x14e: {  	v19 =	vsel vm5, v19, v33;
	v27 =	vsel vm6, v30, v12;
	v31 =	vsel vm1, v21, v32  }
0x14f: {  	vm9 =	vgt.f32 v15, v7;
	v10 =	vsel vm8, v10, v25;
	v25 =	vsel vm7, v17, v16  }
0x150: {  	v11 =	vsel vm2, v11, v22;
	v22 =	vsel vm7, v19, v29;
	vm2 =	vgt.f32 v31, v26  }
0x151: {  	v7 =	vsel vm9, v15, v7;
	v15 =	vsel vm7, v29, v19;
	vm4 =	vgt.f32 v6, v23  }
0x152: {  	v16 =	vsel vm7, v16, v17;
	v19 =	vsel vm1, v32, v21;
	v17 =	vsel vm4, v23, v6  }
0x153: {  	vm7 =	vgt.f32 v25, v13;
	vm5 =	vgt.f32 v17, v16;
	v21 =	vsel vm2, v26, v31  }
0x154: {  	v12 =	vsel vm6, v12, v30;
	v10 =	vsel vm3, v10, v14;
	v13 =	vsel vm7, v25, v13  }
0x155: {  	s3 =	sadd.s32 $0xFFFFFFD0, s25;
	v9 =	vsel vm9, v12, v9;
	v12 =	vsel vm7, v15, v10;
	vm3 =	vgt.f32 v21, v7  }
0x156: {  	v10 =	vor.u32 s3, v0;
	v14 =	vsel vm5, v16, v17;
	v7 =	vsel vm3, v21, v7  }
0x157: {  	v15 =	vsel vm1, v11, v10;
	vm7 =	vgt.f32 v20, v19;
	vm6 =	vgt.f32 v14, v13  }
0x158: {  	v25 =	vsel vm7, v19, v20;
	v13 =	vsel vm6, v14, v13;
	v21 =	vsel vm2, v31, v26  }
0x159: {  	s3 =	sadd.s32 $0xFFFFFFF0, s25;
	s25 =	smov.u32 s0;
	v14 =	vsel vm7, v20, v19;
	v19 =	vsel vm4, v18, v5;
	vm8 =	vgt.f32 v25, v21  }
0x15a: {  	v10 =	vsel vm1, v10, v11;
	v11 =	vor.u32 s3, v0;
	v16 =	vsel vm5, v17, v16;
	v20 =	vld [tilespmem:s31+$0x30]  }
0x15b: {  	v29 =	vsel vm7, v11, v10;
	v11 =	vsel vm7, v10, v11;
	v26 =	vsel vm8, v21, v25;
	v17 =	vld [tilespmem:s31+$0x10]  }
0x15c: {  	v23 =	vsel vm4, v6, v23;
	v31 =	vsel vm2, v15, v27;
	vm7 =	vgt.f32 v26, v7;
	v30 =	vld [tilespmem:s29+$0x10]  }
0x15d: {  	v21 =	vsel vm8, v25, v21;
	v6 =	vsel vm8, v31, v11;
	v25 =	vsel vm4, v5, v18;
	v32 =	vld [tilespmem:s31+$0x0]  }
0x15e: {  	v15 =	vsel vm2, v27, v15;
	v10 =	vsel vm5, v19, v22;
	v18 =	vsel vm5, v22, v19;
	v5 =	vld [tilespmem:s31+$0xFFFFFFF0]  }
0x15f: {  	v22 =	vsub.f32 v36, v24;
	v11 =	vsel vm8, v11, v31;
	v19 =	vld [tilespmem:s29+$0xFFFFFFF0];
	vm1 =	veq.s32 v28, v20  }
0x160: {  	v9 =	vsel vm3, v15, v9;
	v12 =	vsel vm6, v18, v12;
	v7 =	vsel vm7, v26, v7;
	v20 =	vld [tilespmem:s28+$0xFFFFFFF0]  }
0x161: {  	v9 =	vsel vm7, v6, v9;
	v15 =	vld [tilespmem:s26+$0xFFFFFFF0];
	v18 =	vshll.u32 v30, $0x13  }
0x162: {  	v24 =	vld [tilespmem:s31+$0xFFFFFFC0]  }
0x163: {  	v26 =	vld [tilespmem:s31+$0xFFFFFFD0]  }
0x164: {  	v6 =	vld [tilespmem:s29+$0xFFFFFFD0];
	v19 =	vshll.u32 v19, $0x13  }
0x165: {  	v27 =	vld [tilespmem:s28+$0xFFFFFFD0];
	vm2 =	veq.s32 v19, v5  }
0x166: {  	v5 =	vld [tilespmem:s26+$0xFFFFFFD0];
	v15 =	vsub.f32 v15, v20  }
0x167: {  	v19 =	vld [tilespmem:s29+$0xFFFFFFC0]  }
0x168: {  	v20 =	vld [tilespmem:s28+$0xFFFFFFC0]  }
0x169: {  	v28 =	vld [tilespmem:s26+$0xFFFFFFC0];
	v30 =	vshll.u32 v6, $0x13  }
0x16a: {  	v31 =	vld [tilespmem:s31+$0xFFFFFFE0]  }
0x16b: {  	v6 =	vsel vm1, $0xFF800000, v22;
	v27 =	vsub.f32 v5, v27;
	v33 =	vld [tilespmem:s29+$0xFFFFFFE0];
	v5 =	vor.u32 s25, v0  }
0x16c: {  	vm5 =	veq.s32 v18, v17;
	vm1 =	veq.s32 v30, v26;
	v19 =	vshll.u32 v19, $0x13;
	v22 =	vld [tilespmem:s28+$0xFFFFFFE0]  }
0x16d: {  	s0 =	sadd.s32 $0xFFFFFFA0, s25;
	v30 =	vsel vm2, $0xFF800000, v15;
	vm3 =	veq.s32 v19, v24;
	v17 =	vsel vm1, $0xFF800000, v27;
	v19 =	vld [tilespmem:s26+$0xFFFFFFE0]  }
0x16e: {  	v15 =	vsub.f32 v28, v20;
	v20 =	vor.u32 s0, v0;
	vm1 =	vgt.f32 v17, v23;
	v24 =	vld [tilespmem:s29+$0x0]  }
0x16f: {  	v34 =	vsel vm1, v17, v23;
	v23 =	vsel vm1, v23, v17;
	v18 =	vsel vm1, v25, v20;
	v35 =	vld [tilespmem:s28+$0x0]  }
0x170: {  	v15 =	vsel vm3, $0xFF800000, v15;
	vm3 =	vgt.f32 v23, v16;
	v26 =	vshll.u32 v33, $0x13;
	v33 =	vld [tilespmem:s26+$0x0]  }
0x171: {  	vm8 =	vgt.f32 v15, v14;
	v17 =	vsel vm3, v23, v16;
	vm2 =	veq.s32 v26, v31;
	v27 =	vld [tilespmem:s28+$0x10]  }
0x172: {  	vm4 =	vgt.f32 v30, v34;
	v31 =	vsel vm3, v10, v18;
	v19 =	vsub.f32 v19, v22;
	v36 =	vld [tilespmem:s26+$0x10]  }
0x173: {  	v25 =	vsel vm1, v20, v25;
	v37 =	vsel vm8, v14, v15;
	v20 =	vshll.u32 v24, $0x13  }
0x174: {  	s0 =	sadd.s32 $0xFFFFFFC0, s25;
	v28 =	vsel vm3, v16, v23;
	v38 =	vsel vm8, v15, v14;
	vm1 =	vgt.f32 v37, v21  }
0x175: {  	v26 =	vor.u32 s0, v0;
	vm6 =	vgt.f32 v28, v13;
	v16 =	vsel vm2, $0xFF800000, v19  }
0x176: {  	s0 =	sadd.s32 $0xFFFFFF90, s25;
	v23 =	vsel vm4, v30, v34;
	v19 =	vsel vm4, v26, v25;
	vm7 =	veq.s32 v20, v32  }
.Ltmp6:
0x177: {  	v14 =	vsel vm6, v31, v12;
	v20 =	vor.u32 s0, v0;
	vm2 =	vgt.f32 v16, v38;
	(pc) =	sbr.rel @p0 .LBB2_14-.Ltmp6, $4  }
0x178: {  	v15 =	vsel vm1, v37, v21;
	v22 =	vsel vm8, v20, v29;
	v27 =	vsub.f32 v36, v27  }
0x179: {  	v24 =	vsel vm1, v21, v37;
	v20 =	vsel vm8, v29, v20;
	v21 =	vsel vm2, v16, v38  }
0x17a: {  	v12 =	vsel vm1, v20, v11;
	v16 =	vsel vm2, v38, v16;
	v27 =	vsel vm5, $0xFF800000, v27;
	v31 =	vld [tilespmem:s29+$0x20]  }
0x17b: {  	s31 =	sadd.s32 $0x80, s31;
	v30 =	vsel vm4, v34, v30;
	s0 =	sadd.s32 $0xFFFFFFE0, s25;
	v32 =	vsub.f32 v33, v35;
	vm5 =	vgt.f32 v27, v23;
	v29 =	vld [tilespmem:s28+$0x20]  }
0x17c: {  	vm8 =	vgt.f32 v30, v17;
	v33 =	vor.u32 s0, v0  }
0x17d: {  	v13 =	vsel vm6, v28, v13;
	v10 =	vsel vm3, v18, v10;
	v25 =	vsel vm4, v25, v26  }
0x17e: {  	vm3 =	vgt.f32 v16, v15;
	v51 =	vsel vm5, v23, v27;
	v54 =	vsel vm5, v27, v23  }
0x17f: {  	s29 =	sadd.s32 $0xFFFFFFB0, s25;
	v46 =	vsel vm8, v17, v30;
	v32 =	vsel vm7, $0xFF800000, v32;
	v18 =	vsel vm5, v33, v19  }
0x180: {  	v47 =	vsel vm8, v30, v17;
	v49 =	vsel vm3, v16, v15;
	v50 =	vor.u32 s29, v0  }
0x181: {  	s30 =	sadd.s32 $0xFFFFFFD0, s25;
	s31 =	sadd.s32 $0xFFFFFFF0, s25;
	v52 =	vsel vm8, v25, v10;
	v57 =	vsel vm5, v19, v33;
	v10 =	vsel vm8, v10, v25  }
0x182: {  	vm4 =	vgt.f32 v6, v54;
	v63 =	vor.u32 s30, v0;
	v40 =	vor.u32 s31, v0  }
0x183: {  	vm15 =	vgt.f32 v46, v13;
	vm6 =	vgt.f32 v32, v21;
	v53 =	vsel vm2, v22, v50  }
0x184: {  	vm9 =	vgt.f32 v51, v47;
	v59 =	vsel vm2, v50, v22;
	v62 =	vsel vm4, v54, v6  }
0x185: {  	v34 =	vld [tilespmem:s26+$0x20];
	v39 =	vsel vm4, v18, v5;
	v31 =	vshll.u32 v31, $0x13;
	v13 =	vsel vm15, v46, v13  }
0x186: {  	v55 =	vsel vm3, v53, v12;
	v56 =	vsel vm6, v21, v32;
	v58 =	vsel vm9, v47, v51  }
0x187: {  	v60 =	vsel vm9, v57, v52;
	v19 =	vsel vm9, v52, v57;
	v61 =	vsel vm6, v32, v21  }
0x188: {  	v17 =	vsel vm9, v51, v47;
	v10 =	vsel vm15, v10, v14;
	v37 =	vsel vm6, v59, v63  }
0x189: {  	v14 =	vsel vm6, v63, v59;
	vm11 =	veq.s32 v31, v8;
	vm2 =	vgt.f32 v56, v49  }
0x18a: {  	vm12 =	vgt.f32 v58, v13;
	vm13 =	vgt.f32 v62, v17;
	v48 =	vsub.f32 v34, v29  }
0x18b: {  	v13 =	vsel vm12, v58, v13;
	v10 =	vsel vm12, v19, v10;
	v36 =	vsel vm13, v17, v62  }
0x18c: {  	v38 =	vsel vm2, v56, v49;
	v17 =	vsel vm13, v62, v17;
	v41 =	vsel vm2, v37, v55  }
0x18d: {  	v43 =	vsel vm13, v39, v60;
	vm15 =	vgt.f32 v36, v13;
	v8 =	vsel vm11, $0xFF800000, v48  }
0x18e: {  	v19 =	vsel vm13, v60, v39;
	v13 =	vsel vm15, v36, v13;
	vm14 =	vgt.f32 v8, v61  }
0x18f: {  	v10 =	vsel vm15, v19, v10;
	v32 =	vsel vm14, v61, v8;
	v8 =	vsel vm14, v8, v61  }
0x190: {  	v22 =	vsel vm14, v40, v14;
	v14 =	vsel vm14, v14, v40;
	vm11 =	vgt.f32 v32, v38  }
0x191: {  	vm12 =	vgt.f32 v8, v13;
	v42 =	vsel vm11, v32, v38;
	v44 =	vsel vm11, v14, v41  }
0x192: {  	v8 =	vsel vm12, v8, v13;
	v10 =	vsel vm12, v22, v10;
	vm13 =	vgt.f32 v42, v17  }
0x193: {  	(xrf1) =	vsort.ascd.msk.f32 $0xffff, v8, v10;
	v45 =	vsel vm13, v42, v17;
	v46 =	vsel vm13, v44, v43  }
0x194: {  	(xrf1) =	vsort.ascd.msk.f32 $0xffff, v45, v46;
	_ =	sdelay $0x6  }
0x195: {  	vm14 =	vgt.f32 v24, v7  }
0x196: {  	v47 =	vsel vm3, v15, v16;
	v7 =	vsel vm14, v24, v7  }
0x197: {  	v5 =	vsel vm4, v5, v18;
	vm15 =	vgt.f32 v47, v7  }
0x198: {  	v50 =	vsel vm3, v12, v53;
	v49 =	vsel vm2, v49, v56;
	v7 =	vsel vm15, v47, v7  }
0x199: {  	v52 =	vsel vm4, v6, v54;
	v48 =	vsel vm1, v11, v20;
	vm1 =	vgt.f32 v49, v7  }
0x19a: {  	v9 =	vsel vm14, v48, v9;
	v51 =	vsel vm11, v38, v32;
	v7 =	vsel vm1, v49, v7  }
0x19b: {  	v54 =	vsel vm2, v55, v37;
	v9 =	vsel vm15, v50, v9;
	vm3 =	vgt.f32 v51, v7;
	v56, v55, _ =	vpop (xrf1)  }
0x19c: {  	v53 =	vsel vm11, v41, v14;
	v9 =	vsel vm1, v54, v9;
	v7 =	vsel vm3, v51, v7;
	v58, v57, _ =	vpop (xrf1)  }
0x19d: {  	v9 =	vsel vm3, v53, v9;
	vm1 =	vgt.f32 v7, v52;
	v8 =	vperm.xlane v58, v4  }
0x19e: {  	v6 =	vsel vm1, v7, v52;
	v5 =	vsel vm1, v9, v5;
	v59 =	vperm.xlane v57, v4  }
0x19f: {  	(xrf1) =	vsort.ascd.msk.f32 $0xffff, v6, v5;
	vm1 =	vge.f32 v56, v8  }
0x1a0: {  	v5 =	vsel vm1, v56, v8;
	v60 =	vsel vm1, v55, v59  }
0x1a1: {  	(xrf1) =	vsort.ascd.msk.f32 $0xffff, v5, v60;
	_ =	sdelay $0xb  }
0x1a2: {  	v5, v6, _ =	vpop (xrf1)  }
0x1a3: {  	v5 =	vperm.xlane v5, v4  }
0x1a4: {  	v4 =	vperm.xlane v6, v4;
	v62, v61, _ =	vpop (xrf1)  }
0x1a5: {  	vm1 =	vge.f32 v62, v5  }
0x1a6: {  	v5 =	vsel vm1, v62, v5;
	v4 =	vsel vm1, v61, v4  }
0x1a7: {  	(xrf1) =	vsort.ascd.msk.f32 $0xffff, v5, v4;
	_ =	sdelay $0xd  }
0x1a8: {  	v4, v5, _ =	vpop (xrf1)  }
0x1a9: {  	v63 =	vsub.f32 $0.0e+00, v4;
	_ =	sdelay $0x1  }
0x1aa: {  	vm1 =	vgt.f32 v4, $1.000000010e-01;
	v4 =	vmul.f32 $1.442695020e+00, v63  }
0x1ab: {  	vm1 =	vmand vm1, vm0  }
0x1ac: {  	v4 =	vnsel vm1, $0x0, v4  }
0x1ad: {  	(erf) = vpow2.f32 v4;
	_ =	sdelay $0x8  }
0x1ae: {  	v4 =	vpop (erf)  }
0x1af: {  	v4 =	vadd.f32 $1.000000000e+00, v4;
	_ =	sdelay $0x1  }
0x1b0: {  	(erf) = vrcp.f32 v4;
	_ =	sdelay $0x8  }
0x1b1: {  	s24 =	sadd.s32 $0x1, s24;
	v4 =	vpop (erf)  }
0x1b2: {  	p0 =	sne.s32 s24, s11;
	[tilespmem:v5+s21+$0x0] =	vst.idx.msk vm1, v4  }
0x1b3: {  	[hbm4b:s10+s12] =	stream.strided.scatter [tilespmem:s21], [sflag:$0x5], $0x2000, s13, s12, $0x38;
	[tilespmem:$0x14000] =	vst v63  }
.Ltmp7:
0x1b4: {  	_ = 	snop;
	(pc) =	sbr.rel @p0 .LBB2_1-.Ltmp7, $4  }
0x1b5: {  	_ =	swait.ge [sflag:s18], $0x2000  }
0x1b6: {  	[sflag:s18] =	ssyncset.done $0x0  }
0x1b7: {  	[sflag:s18] =	ssyncadd.s32 $0xFFFFE000  }
0x1b8: {  	[tilespmem:v5+s21+$0x0] =	vst.idx.msk vm1, v3  }
0x1b9: {  	_ =	sfence.sel $0x180000  }
0x1ba: {  	[bflag:$0x0] =	sbarrier.arrive $0xFFFF  }
0x1bb: {  	_ =	strace $0x90000047  }
0x1bc: {  	s0 =	stileid.u32;
	[bflag:$0x2] =	sbarrier.arrive $0xFFFF  }
0x1bd: {  	p0 =	sne.s32 s0, $0x0;
	s0 =	rddreg [dreg:$0x5]  }
0x1be: {  	s0 =	sadd.s32 @!p0 $0x100000, s0  }
0x1bf: {  	[sflag:s0] =	ssyncadd.tile.s32 @!p0 $0x1;
	_ =	shalt  }
.Lfunc_end2:
_tile_overlayer_lowered:
.L_overlay_start_2:
0x1c0: {  	(tag) =	ssettag $0x2  }
0x1c1: {  	s0 =	rddreg [dreg:$0x0];
	s2 =	stileid.u32  }
0x1c2: {  	s1 =	rddreg [dreg:$0x1];
	p0 =	sne.s32 s2, $0x0  }
0x1c3: {  	s3 =	rddreg [dreg:$0x2];
	[bflag:$0x3] =	sbarrier.arrive $0xFFFF;
	s2 =	simm.s32 @!p0 $0x1C05  }
0x1c4: {  	[timem:s3], [sflag:s2] =	dma.local @!p0 [hbm:s0], s1  }
0x1c5: {  	s0 =	simm.s32 @!p0 $0x5  }
0x1c6: {  	_ =	swait.ge @!p0 [sflag:s0], s1  }
0x1c7: {  	s1 =	ssub.s32 @!p0 $0x0, s1;
	[sflag:s0] =	ssyncset.done @!p0 $0x0  }
0x1c8: {  	[sflag:s0] =	ssyncadd.s32 @!p0 s1  }
0x1c9: {  	[bflag:$0x3] =	sbarrier.arrive $0xFFFF  }
0x1ca: {  	_ =	shalt  }

</sc_bundles>
